<compile_context>
chip_gen: v7x
topology: tpu7x:2x2x1
jax: 0.10.2.dev20260603
libtpu: 0.0.44.dev20260713+nightly
codegen_flags: <defaults>
</compile_context>

<pallas_src>
import functools

import jax
import jax.numpy as jnp
from jax import lax
from jax.experimental import pallas as pl
from jax.experimental.pallas import tpu as pltpu
from jax.experimental.pallas import tpu_sc as plsc

_HID = 128


@functools.lru_cache(maxsize=None)
def _sc_gather(n_rows: int, chunk: int):
    info = plsc.get_sparse_core_info()
    nc, ns = info.num_cores, info.num_subcores
    nw = nc * ns
    rows_per_w = n_rows // nw
    n_chunks = rows_per_w // chunk

    mesh = plsc.VectorSubcoreMesh(core_axis_name="c", subcore_axis_name="s")

    @functools.partial(
        pl.kernel,
        mesh=mesh,
        out_type=jax.ShapeDtypeStruct((n_rows, _HID), jnp.float32),
        scratch_types=[
            pltpu.VMEM((n_chunks, chunk), jnp.int32),
            pltpu.VMEM((chunk, _HID), jnp.float32),
            pltpu.VMEM((chunk, _HID), jnp.float32),
            pltpu.SemaphoreType.DMA,
            pltpu.SemaphoreType.DMA,
            pltpu.SemaphoreType.DMA,
            pltpu.SemaphoreType.DMA,
        ],
    )
    def k(table_hbm, ids_hbm, out_hbm, idx_all, buf0, buf1, g0, g1, s0, s1):
        wid = lax.axis_index("s") * nc + lax.axis_index("c")
        base = wid * rows_per_w
        buf = (buf0, buf1)
        gs = (g0, g1)
        ss = (s0, s1)

        pltpu.sync_copy(ids_hbm.at[wid], idx_all)
        pltpu.async_copy(table_hbm.at[idx_all.at[0]], buf0, g0)

        def pair(p, carry):
            for q in range(2):
                i = 2 * p + q
                cur, nxt = q, 1 - q

                @pl.when(i + 1 < n_chunks)
                def _fire():
                    @pl.when(i >= 1)
                    def _drain():
                        pltpu.make_async_copy(
                            buf[nxt], out_hbm.at[pl.ds(base, chunk)], ss[nxt]
                        ).wait()

                    pltpu.async_copy(
                        table_hbm.at[idx_all.at[i + 1]], buf[nxt], gs[nxt]
                    )

                pltpu.make_async_copy(
                    table_hbm.at[idx_all.at[i]], buf[cur], gs[cur]
                ).wait()
                pltpu.async_copy(
                    buf[cur], out_hbm.at[pl.ds(base + i * chunk, chunk)], ss[cur]
                )
            return carry

        lax.fori_loop(0, n_chunks // 2, pair, 0)
        for b in range(2):
            pltpu.make_async_copy(
                buf[b], out_hbm.at[pl.ds(base, chunk)], ss[b]
            ).wait()

    return k


def _ln_first(x_ref, c1_ref, tt_ref, dlt_ref, g_ref, b_ref, o_ref):
    _ln_impl(x_ref, c1_ref, tt_ref, dlt_ref, g_ref, b_ref, o_ref)


def _ln_next(x_ref, c1_ref, tt_ref, dlt_ref, g_ref, b_ref, prev_ref, o_ref):
    del prev_ref
    _ln_impl(x_ref, c1_ref, tt_ref, dlt_ref, g_ref, b_ref, o_ref)


def _ln_impl(x_ref, c1_ref, tt_ref, dlt_ref, g_ref, b_ref, o_ref):
    x = (
        x_ref[...]
        + c1_ref[...][:, None, :]
        + tt_ref[...][..., None] * dlt_ref[...][None, None, :]
    )
    mean = jnp.mean(x, axis=-1, keepdims=True)
    var = jnp.mean(x * x, axis=-1, keepdims=True) - mean * mean
    a = lax.rsqrt(var + 1e-5) * g_ref[...]
    o_ref[...] = x * a + (b_ref[...] - mean * a)


def kernel(input_ids, position_ids, token_type_ids, word_emb, pos_emb,
           type_emb, ln_gamma, ln_beta):
    s, b = input_ids.shape
    h = word_emb.shape[1]
    chunk = 128
    sblk = 8
    nsl = 4
    s_sl = s // nsl
    rows_sl = s_sl * b
    info = plsc.get_sparse_core_info()
    nw = info.num_cores * info.num_subcores
    n_chunks = (rows_sl // nw) // chunk

    pos_table = jnp.take(pos_emb, position_ids[0].astype(jnp.int32), axis=0)
    c1 = pos_table + type_emb[0]
    dlt = type_emb[1] - type_emb[0]
    tt = token_type_ids.astype(jnp.float32)

    sc = _sc_gather(rows_sl, chunk)
    out = None
    for k in range(nsl):
        ids_k = (
            input_ids[k * s_sl:(k + 1) * s_sl]
            .reshape(nw, n_chunks, chunk)
            .astype(jnp.int32)
        )
        gath = sc(word_emb, ids_k).reshape(s_sl, b, h)

        common_specs = [
            pl.BlockSpec((sblk, b, h), lambda i: (i, 0, 0)),
            pl.BlockSpec((sblk, h), lambda i: (i, 0)),
            pl.BlockSpec((sblk, b), lambda i: (i, 0)),
            pl.BlockSpec((h,), lambda i: (0,)),
            pl.BlockSpec((h,), lambda i: (0,)),
            pl.BlockSpec((h,), lambda i: (0,)),
        ]
        common_args = (
            gath,
            lax.dynamic_slice_in_dim(c1, k * s_sl, s_sl),
            lax.dynamic_slice_in_dim(tt, k * s_sl, s_sl),
            dlt,
            ln_gamma,
            ln_beta,
        )
        out_spec = pl.BlockSpec(
            (sblk, b, h), lambda i, k=k: (i + k * (s_sl // sblk), 0, 0)
        )
        out_shape = jax.ShapeDtypeStruct((s, b, h), jnp.float32)
        if k == 0:
            out = pl.pallas_call(
                _ln_first,
                grid=(s_sl // sblk,),
                in_specs=common_specs,
                out_specs=out_spec,
                out_shape=out_shape,
            )(*common_args)
        else:
            out = pl.pallas_call(
                _ln_next,
                grid=(s_sl // sblk,),
                in_specs=common_specs + [pl.BlockSpec(memory_space=pl.ANY)],
                out_specs=out_spec,
                out_shape=out_shape,
                input_output_aliases={6: 0},
            )(*common_args, out)
    return out

# --- scband reference (transcript-rebuilt; emitter-appended) ---
"""Pipeline reference for scband-bert-embeddings-41961830482465 (READ-ONLY COPY).

The authoritative reference and input builder live on the scoring server;
editing this copy changes nothing except your own understanding.
"""

import jax, jax.numpy as jnp
import numpy as np

VOCAB = 100000
HIDDEN = 128
MAX_POS = 512
TYPE_VOCAB = 2
SEQ = 512
BATCH = 1024


def layer_norm(x, gamma, beta, eps=1e-5):
    mean = jnp.mean(x, axis=-1, keepdims=True)
    var = jnp.mean((x - mean) ** 2, axis=-1, keepdims=True)
    return (x - mean) / jnp.sqrt(var + eps) * gamma + beta


def setup_inputs(seed: int = 0) -> dict:
    key = jax.random.key(seed)
    k1, k2, k3, k4, k5 = jax.random.split(key, 5)
    input_ids = jax.random.randint(k1, (SEQ, BATCH), 0, VOCAB)
    position_ids = jnp.arange(SEQ).reshape(1, SEQ)
    token_type_ids = jax.random.randint(k2, (SEQ, BATCH), 0, TYPE_VOCAB)
    word_emb = jax.random.normal(k3, (VOCAB, HIDDEN), dtype=jnp.float32) * 0.02
    pos_emb = jax.random.normal(k4, (MAX_POS, HIDDEN), dtype=jnp.float32) * 0.02
    type_emb = jax.random.normal(k5, (TYPE_VOCAB, HIDDEN), dtype=jnp.float32) * 0.02
    ln_gamma = jnp.ones((HIDDEN,), dtype=jnp.float32)
    ln_beta = jnp.zeros((HIDDEN,), dtype=jnp.float32)
    return {
        "input_ids": input_ids,
        "position_ids": position_ids,
        "token_type_ids": token_type_ids,
        "word_emb": word_emb,
        "pos_emb": pos_emb,
        "type_emb": type_emb,
        "ln_gamma": ln_gamma,
        "ln_beta": ln_beta,
    }


def reference(input_ids, position_ids, token_type_ids, word_emb, pos_emb, type_emb, ln_gamma, ln_beta):
    # TokenEmbedding: [S, B] -> [S, B, H]
    token_embedding = jnp.take(word_emb, input_ids, axis=0)
    # PositionalEmbedding: [1, S] -> embed -> [1, S, H] -> transpose(0,1) -> [S, 1, H]
    positional_embedding = jnp.transpose(jnp.take(pos_emb, position_ids, axis=0), (1, 0, 2))
    # SegmentEmbedding: [S, B] -> [S, B, H]
    segment_embedding = jnp.take(type_emb, token_type_ids, axis=0)
    embeddings = token_embedding + positional_embedding + segment_embedding
    embeddings = layer_norm(embeddings, ln_gamma, ln_beta)
    # dropout is identity in eval mode
    return embeddings

if __name__ == "__main__":
    import jax
    _d = setup_inputs()
    print(jax.jit(kernel)(*tuple(_d.values())))

</pallas_src>

<mosaic_0001>
#map = affine_map<(d0, d1) -> (0, 0)>
#map1 = affine_map<(d0, d1) -> (0, 0, 0)>
module attributes {stable_mosaic.version = 14 : i64} {
  func.func @k(%arg0: i32, %arg1: i32, %arg2: memref<100000x128xf32, #tpu.memory_space<hbm>>, %arg3: memref<32x32x128xi32, #tpu.memory_space<hbm>>, %arg4: memref<131072x128xf32, #tpu.memory_space<hbm>>, %arg5: memref<32x128xi32, #tpu.memory_space<vmem>>, %arg6: memref<128x128xf32, #tpu.memory_space<vmem>>, %arg7: memref<128x128xf32, #tpu.memory_space<vmem>>, %arg8: memref<!tpu.dma_semaphore, #tpu.memory_space<semaphore_mem>>, %arg9: memref<!tpu.dma_semaphore, #tpu.memory_space<semaphore_mem>>, %arg10: memref<!tpu.dma_semaphore, #tpu.memory_space<semaphore_mem>>, %arg11: memref<!tpu.dma_semaphore, #tpu.memory_space<semaphore_mem>>) attributes {dimension_semantics = [#tpu.dimension_semantics<core_parallel>, #tpu.dimension_semantics<subcore_parallel>], iteration_bounds = array<i64: 2, 16>, scalar_prefetch = 0 : i64, scratch_operands = 7 : i64, tpu.core_type = #tpu.core_type<sc_vector_subcore>, window_params = [{transform_indices = #map}, {transform_indices = #map1}, {transform_indices = #map}]} {
    %mul3A = arith.constant 2 : i32
    %mul3A_0 = arith.muli %arg1, %mul3A : i32
    %add3A = arith.addi %mul3A_0, %arg0 : i32
    %mul3A_1 = arith.constant 4096 : i32
    %mul3A_2 = arith.muli %add3A, %mul3A_1 : i32
    "tpu.region"() ({
      %run_scoped3A = tpu.sem_alloc : memref<!tpu.dma_semaphore, #tpu.memory_space<semaphore_mem>>
      %dma_start3A_21 = arith.constant 0 : i32
      %dma_start3A_22 = arith.constant 0 : i32
      %dma_start3A_23 = tpu.memref_slice %arg3[%add3A, %dma_start3A_21, %dma_start3A_22] : memref<32x32x128xi32, #tpu.memory_space<hbm>> -> memref<1x32x128xi32, #tpu.memory_space<hbm>>
      %dma_start3A_24 = tpu.memref_squeeze %dma_start3A_23 : memref<1x32x128xi32, #tpu.memory_space<hbm>> -> memref<32x128xi32, #tpu.memory_space<hbm>>
      %dma_start3A_25 = arith.constant 0 : i32
      %dma_start3A_26 = arith.constant 0 : i32
      %dma_start3A_27 = tpu.memref_slice %arg3[%add3A, %dma_start3A_25, %dma_start3A_26] : memref<32x32x128xi32, #tpu.memory_space<hbm>> -> memref<1x32x128xi32, #tpu.memory_space<hbm>>
      %dma_start3A_28 = tpu.memref_squeeze %dma_start3A_27 : memref<1x32x128xi32, #tpu.memory_space<hbm>> -> memref<32x128xi32, #tpu.memory_space<hbm>>
      tpu.enqueue_dma source(%dma_start3A_28 : memref<32x128xi32, #tpu.memory_space<hbm>>) target(%arg5 : memref<32x128xi32, #tpu.memory_space<vmem>>) target_semaphore(%run_scoped3A : memref<!tpu.dma_semaphore, #tpu.memory_space<semaphore_mem>>)
      %dma_wait3A_29 = arith.constant 0 : i32
      %dma_wait3A_30 = arith.constant 0 : i32
      %dma_wait3A_31 = tpu.memref_slice %arg3[%add3A, %dma_wait3A_29, %dma_wait3A_30] : memref<32x32x128xi32, #tpu.memory_space<hbm>> -> memref<1x32x128xi32, #tpu.memory_space<hbm>>
      %dma_wait3A_32 = tpu.memref_squeeze %dma_wait3A_31 : memref<1x32x128xi32, #tpu.memory_space<hbm>> -> memref<32x128xi32, #tpu.memory_space<hbm>>
      %dma_wait3A_33 = arith.constant 0 : i32
      %dma_wait3A_34 = arith.constant 0 : i32
      %dma_wait3A_35 = tpu.memref_slice %arg3[%add3A, %dma_wait3A_33, %dma_wait3A_34] : memref<32x32x128xi32, #tpu.memory_space<hbm>> -> memref<1x32x128xi32, #tpu.memory_space<hbm>>
      %dma_wait3A_36 = tpu.memref_squeeze %dma_wait3A_35 : memref<1x32x128xi32, #tpu.memory_space<hbm>> -> memref<32x128xi32, #tpu.memory_space<hbm>>
      tpu.wait_dma2 semaphore(%run_scoped3A : memref<!tpu.dma_semaphore, #tpu.memory_space<semaphore_mem>>) src(%dma_wait3A_36 : memref<32x128xi32, #tpu.memory_space<hbm>>) dst(%arg5 : memref<32x128xi32, #tpu.memory_space<vmem>>)
      tpu.yield
    }) : () -> ()
    %dma_start3A = arith.constant 0 : i32
    %dma_start3A_3 = arith.constant 0 : i32
    %dma_start3A_4 = tpu.memref_slice %arg5[%dma_start3A, %dma_start3A_3] : memref<32x128xi32, #tpu.memory_space<vmem>> -> memref<1x128xi32, #tpu.memory_space<vmem>>
    %dma_start3A_5 = tpu.memref_squeeze %dma_start3A_4 : memref<1x128xi32, #tpu.memory_space<vmem>> -> memref<128xi32, #tpu.memory_space<vmem>>
    %dma_start3A_6 = arith.constant 0 : i32
    %dma_start3A_7 = arith.constant 0 : i32
    %dma_start3A_8 = tpu.memref_slice %arg2[%dma_start3A_6, %dma_start3A_7] : memref<100000x128xf32, #tpu.memory_space<hbm>> -> memref<100000x128xf32, #tpu.memory_space<hbm>>
    tpu.enqueue_indirect_dma source(%dma_start3A_8 : memref<100000x128xf32, #tpu.memory_space<hbm>>) target(%arg6 : memref<128x128xf32, #tpu.memory_space<vmem>>) offsets(%dma_start3A_5 : memref<128xi32, #tpu.memory_space<vmem>>) semaphore(%arg8 : memref<!tpu.dma_semaphore, #tpu.memory_space<semaphore_mem>>)
    %scan3A = arith.constant 0 : i32
    %scan3A_9 = arith.constant 0 : i32
    %scan3A_10 = arith.constant 16 : i32
    %scan3A_11 = arith.addi %scan3A_9, %scan3A_10 : i32
    %scan3A_12 = arith.constant 1 : i32
    scf.for %scan3A_21 = %scan3A_9 to %scan3A_11 step %scan3A_12  : i32 {
      %mul3A_22 = arith.constant 2 : i32
      %mul3A_23 = arith.muli %mul3A_22, %scan3A_21 : i32
      %add3A_24 = arith.constant 0 : i32
      %add3A_25 = arith.addi %mul3A_23, %add3A_24 : i32
      %add3A_26 = arith.constant 1 : i32
      %add3A_27 = arith.addi %add3A_25, %add3A_26 : i32
      %lt3A = arith.constant 32 : i32
      %lt3A_28 = arith.cmpi slt, %add3A_27, %lt3A : i32
      %convert_element_type3A = arith.extui %lt3A_28 : i1 to i32
      %cond3A = arith.constant 0 : i32
      %cond3A_29 = arith.cmpi ne, %convert_element_type3A, %cond3A : i32
      scf.if %cond3A_29 {
        %ge3A = arith.constant 1 : i32
        %ge3A_67 = arith.cmpi sge, %add3A_25, %ge3A : i32
        %convert_element_type3A_68 = arith.extui %ge3A_67 : i1 to i32
        %cond3A_69 = arith.constant 0 : i32
        %cond3A_70 = arith.cmpi ne, %convert_element_type3A_68, %cond3A_69 : i32
        scf.if %cond3A_70 {
          %dma_wait3A_79 = arith.constant 0 : i32
          %dma_wait3A_80 = tpu.memref_slice %arg4[%mul3A_2, %dma_wait3A_79] : memref<131072x128xf32, #tpu.memory_space<hbm>> -> memref<128x128xf32, #tpu.memory_space<hbm>>
          %dma_wait3A_81 = arith.constant 0 : i32
          %dma_wait3A_82 = tpu.memref_slice %arg4[%mul3A_2, %dma_wait3A_81] : memref<131072x128xf32, #tpu.memory_space<hbm>> -> memref<128x128xf32, #tpu.memory_space<hbm>>
          tpu.wait_dma2 semaphore(%arg11 : memref<!tpu.dma_semaphore, #tpu.memory_space<semaphore_mem>>) src(%arg7 : memref<128x128xf32, #tpu.memory_space<vmem>>) dst(%dma_wait3A_82 : memref<128x128xf32, #tpu.memory_space<hbm>>)
        } else {
        }
        %add3A_71 = arith.constant 1 : i32
        %add3A_72 = arith.addi %add3A_25, %add3A_71 : i32
        %dma_start3A_73 = arith.constant 0 : i32
        %dma_start3A_74 = tpu.memref_slice %arg5[%add3A_72, %dma_start3A_73] : memref<32x128xi32, #tpu.memory_space<vmem>> -> memref<1x128xi32, #tpu.memory_space<vmem>>
        %dma_start3A_75 = tpu.memref_squeeze %dma_start3A_74 : memref<1x128xi32, #tpu.memory_space<vmem>> -> memref<128xi32, #tpu.memory_space<vmem>>
        %dma_start3A_76 = arith.constant 0 : i32
        %dma_start3A_77 = arith.constant 0 : i32
        %dma_start3A_78 = tpu.memref_slice %arg2[%dma_start3A_76, %dma_start3A_77] : memref<100000x128xf32, #tpu.memory_space<hbm>> -> memref<100000x128xf32, #tpu.memory_space<hbm>>
        tpu.enqueue_indirect_dma source(%dma_start3A_78 : memref<100000x128xf32, #tpu.memory_space<hbm>>) target(%arg7 : memref<128x128xf32, #tpu.memory_space<vmem>>) offsets(%dma_start3A_75 : memref<128xi32, #tpu.memory_space<vmem>>) semaphore(%arg9 : memref<!tpu.dma_semaphore, #tpu.memory_space<semaphore_mem>>)
      } else {
      }
      %dma_wait3A_30 = arith.constant 0 : i32
      %dma_wait3A_31 = tpu.memref_slice %arg5[%add3A_25, %dma_wait3A_30] : memref<32x128xi32, #tpu.memory_space<vmem>> -> memref<1x128xi32, #tpu.memory_space<vmem>>
      %dma_wait3A_32 = tpu.memref_squeeze %dma_wait3A_31 : memref<1x128xi32, #tpu.memory_space<vmem>> -> memref<128xi32, #tpu.memory_space<vmem>>
      %dma_wait3A_33 = arith.constant 0 : i32
      %dma_wait3A_34 = arith.constant 0 : i32
      %dma_wait3A_35 = tpu.memref_slice %arg2[%dma_wait3A_33, %dma_wait3A_34] : memref<100000x128xf32, #tpu.memory_space<hbm>> -> memref<100000x128xf32, #tpu.memory_space<hbm>>
      tpu.wait_indirect_dma semaphore(%arg8 : memref<!tpu.dma_semaphore, #tpu.memory_space<semaphore_mem>>) src(%dma_wait3A_35 : memref<100000x128xf32, #tpu.memory_space<hbm>>) dst(%arg6 : memref<128x128xf32, #tpu.memory_space<vmem>>)
      %mul3A_36 = arith.constant 128 : i32
      %mul3A_37 = arith.muli %add3A_25, %mul3A_36 : i32
      %add3A_38 = arith.addi %mul3A_2, %mul3A_37 : i32
      %dma_start3A_39 = arith.constant 0 : i32
      %dma_start3A_40 = tpu.memref_slice %arg4[%add3A_38, %dma_start3A_39] : memref<131072x128xf32, #tpu.memory_space<hbm>> -> memref<128x128xf32, #tpu.memory_space<hbm>>
      %dma_start3A_41 = arith.constant 0 : i32
      %dma_start3A_42 = tpu.memref_slice %arg4[%add3A_38, %dma_start3A_41] : memref<131072x128xf32, #tpu.memory_space<hbm>> -> memref<128x128xf32, #tpu.memory_space<hbm>>
      tpu.enqueue_dma source(%arg6 : memref<128x128xf32, #tpu.memory_space<vmem>>) target(%dma_start3A_42 : memref<128x128xf32, #tpu.memory_space<hbm>>) target_semaphore(%arg10 : memref<!tpu.dma_semaphore, #tpu.memory_space<semaphore_mem>>)
      %mul3A_43 = arith.constant 2 : i32
      %mul3A_44 = arith.muli %mul3A_43, %scan3A_21 : i32
      %add3A_45 = arith.constant 1 : i32
      %add3A_46 = arith.addi %mul3A_44, %add3A_45 : i32
      %add3A_47 = arith.constant 1 : i32
      %add3A_48 = arith.addi %add3A_46, %add3A_47 : i32
      %lt3A_49 = arith.constant 32 : i32
      %lt3A_50 = arith.cmpi slt, %add3A_48, %lt3A_49 : i32
      %convert_element_type3A_51 = arith.extui %lt3A_50 : i1 to i32
      %cond3A_52 = arith.constant 0 : i32
      %cond3A_53 = arith.cmpi ne, %convert_element_type3A_51, %cond3A_52 : i32
      scf.if %cond3A_53 {
        %ge3A = arith.constant 1 : i32
        %ge3A_67 = arith.cmpi sge, %add3A_46, %ge3A : i32
        %convert_element_type3A_68 = arith.extui %ge3A_67 : i1 to i32
        %cond3A_69 = arith.constant 0 : i32
        %cond3A_70 = arith.cmpi ne, %convert_element_type3A_68, %cond3A_69 : i32
        scf.if %cond3A_70 {
          %dma_wait3A_79 = arith.constant 0 : i32
          %dma_wait3A_80 = tpu.memref_slice %arg4[%mul3A_2, %dma_wait3A_79] : memref<131072x128xf32, #tpu.memory_space<hbm>> -> memref<128x128xf32, #tpu.memory_space<hbm>>
          %dma_wait3A_81 = arith.constant 0 : i32
          %dma_wait3A_82 = tpu.memref_slice %arg4[%mul3A_2, %dma_wait3A_81] : memref<131072x128xf32, #tpu.memory_space<hbm>> -> memref<128x128xf32, #tpu.memory_space<hbm>>
          tpu.wait_dma2 semaphore(%arg10 : memref<!tpu.dma_semaphore, #tpu.memory_space<semaphore_mem>>) src(%arg6 : memref<128x128xf32, #tpu.memory_space<vmem>>) dst(%dma_wait3A_82 : memref<128x128xf32, #tpu.memory_space<hbm>>)
        } else {
        }
        %add3A_71 = arith.constant 1 : i32
        %add3A_72 = arith.addi %add3A_46, %add3A_71 : i32
        %dma_start3A_73 = arith.constant 0 : i32
        %dma_start3A_74 = tpu.memref_slice %arg5[%add3A_72, %dma_start3A_73] : memref<32x128xi32, #tpu.memory_space<vmem>> -> memref<1x128xi32, #tpu.memory_space<vmem>>
        %dma_start3A_75 = tpu.memref_squeeze %dma_start3A_74 : memref<1x128xi32, #tpu.memory_space<vmem>> -> memref<128xi32, #tpu.memory_space<vmem>>
        %dma_start3A_76 = arith.constant 0 : i32
        %dma_start3A_77 = arith.constant 0 : i32
        %dma_start3A_78 = tpu.memref_slice %arg2[%dma_start3A_76, %dma_start3A_77] : memref<100000x128xf32, #tpu.memory_space<hbm>> -> memref<100000x128xf32, #tpu.memory_space<hbm>>
        tpu.enqueue_indirect_dma source(%dma_start3A_78 : memref<100000x128xf32, #tpu.memory_space<hbm>>) target(%arg6 : memref<128x128xf32, #tpu.memory_space<vmem>>) offsets(%dma_start3A_75 : memref<128xi32, #tpu.memory_space<vmem>>) semaphore(%arg8 : memref<!tpu.dma_semaphore, #tpu.memory_space<semaphore_mem>>)
      } else {
      }
      %dma_wait3A_54 = arith.constant 0 : i32
      %dma_wait3A_55 = tpu.memref_slice %arg5[%add3A_46, %dma_wait3A_54] : memref<32x128xi32, #tpu.memory_space<vmem>> -> memref<1x128xi32, #tpu.memory_space<vmem>>
      %dma_wait3A_56 = tpu.memref_squeeze %dma_wait3A_55 : memref<1x128xi32, #tpu.memory_space<vmem>> -> memref<128xi32, #tpu.memory_space<vmem>>
      %dma_wait3A_57 = arith.constant 0 : i32
      %dma_wait3A_58 = arith.constant 0 : i32
      %dma_wait3A_59 = tpu.memref_slice %arg2[%dma_wait3A_57, %dma_wait3A_58] : memref<100000x128xf32, #tpu.memory_space<hbm>> -> memref<100000x128xf32, #tpu.memory_space<hbm>>
      tpu.wait_indirect_dma semaphore(%arg9 : memref<!tpu.dma_semaphore, #tpu.memory_space<semaphore_mem>>) src(%dma_wait3A_59 : memref<100000x128xf32, #tpu.memory_space<hbm>>) dst(%arg7 : memref<128x128xf32, #tpu.memory_space<vmem>>)
      %mul3A_60 = arith.constant 128 : i32
      %mul3A_61 = arith.muli %add3A_46, %mul3A_60 : i32
      %add3A_62 = arith.addi %mul3A_2, %mul3A_61 : i32
      %dma_start3A_63 = arith.constant 0 : i32
      %dma_start3A_64 = tpu.memref_slice %arg4[%add3A_62, %dma_start3A_63] : memref<131072x128xf32, #tpu.memory_space<hbm>> -> memref<128x128xf32, #tpu.memory_space<hbm>>
      %dma_start3A_65 = arith.constant 0 : i32
      %dma_start3A_66 = tpu.memref_slice %arg4[%add3A_62, %dma_start3A_65] : memref<131072x128xf32, #tpu.memory_space<hbm>> -> memref<128x128xf32, #tpu.memory_space<hbm>>
      tpu.enqueue_dma source(%arg7 : memref<128x128xf32, #tpu.memory_space<vmem>>) target(%dma_start3A_66 : memref<128x128xf32, #tpu.memory_space<hbm>>) target_semaphore(%arg11 : memref<!tpu.dma_semaphore, #tpu.memory_space<semaphore_mem>>)
    }
    %scan3A_13 = arith.constant 16 : i32
    %dma_wait3A = arith.constant 0 : i32
    %dma_wait3A_14 = tpu.memref_slice %arg4[%mul3A_2, %dma_wait3A] : memref<131072x128xf32, #tpu.memory_space<hbm>> -> memref<128x128xf32, #tpu.memory_space<hbm>>
    %dma_wait3A_15 = arith.constant 0 : i32
    %dma_wait3A_16 = tpu.memref_slice %arg4[%mul3A_2, %dma_wait3A_15] : memref<131072x128xf32, #tpu.memory_space<hbm>> -> memref<128x128xf32, #tpu.memory_space<hbm>>
    tpu.wait_dma2 semaphore(%arg10 : memref<!tpu.dma_semaphore, #tpu.memory_space<semaphore_mem>>) src(%arg6 : memref<128x128xf32, #tpu.memory_space<vmem>>) dst(%dma_wait3A_16 : memref<128x128xf32, #tpu.memory_space<hbm>>)
    %dma_wait3A_17 = arith.constant 0 : i32
    %dma_wait3A_18 = tpu.memref_slice %arg4[%mul3A_2, %dma_wait3A_17] : memref<131072x128xf32, #tpu.memory_space<hbm>> -> memref<128x128xf32, #tpu.memory_space<hbm>>
    %dma_wait3A_19 = arith.constant 0 : i32
    %dma_wait3A_20 = tpu.memref_slice %arg4[%mul3A_2, %dma_wait3A_19] : memref<131072x128xf32, #tpu.memory_space<hbm>> -> memref<128x128xf32, #tpu.memory_space<hbm>>
    tpu.wait_dma2 semaphore(%arg11 : memref<!tpu.dma_semaphore, #tpu.memory_space<semaphore_mem>>) src(%arg7 : memref<128x128xf32, #tpu.memory_space<vmem>>) dst(%dma_wait3A_20 : memref<128x128xf32, #tpu.memory_space<hbm>>)
    return
  }
}

#map = affine_map<(d0, d1) -> (0, 0)>
#map1 = affine_map<(d0, d1) -> (0, 0, 0)>
module attributes {stable_mosaic.version = 14 : i64} {
  func.func @k(%arg0: i32, %arg1: i32, %arg2: memref<100000x128xf32, #tpu.memory_space<hbm>>, %arg3: memref<32x32x128xi32, #tpu.memory_space<hbm>>, %arg4: memref<131072x128xf32, #tpu.memory_space<hbm>>, %arg5: memref<32x128xi32, #tpu.memory_space<vmem>>, %arg6: memref<128x128xf32, #tpu.memory_space<vmem>>, %arg7: memref<128x128xf32, #tpu.memory_space<vmem>>, %arg8: memref<!tpu.dma_semaphore, #tpu.memory_space<semaphore_mem>>, %arg9: memref<!tpu.dma_semaphore, #tpu.memory_space<semaphore_mem>>, %arg10: memref<!tpu.dma_semaphore, #tpu.memory_space<semaphore_mem>>, %arg11: memref<!tpu.dma_semaphore, #tpu.memory_space<semaphore_mem>>) attributes {dimension_semantics = [#tpu.dimension_semantics<core_parallel>, #tpu.dimension_semantics<subcore_parallel>], iteration_bounds = array<i64: 2, 16>, scalar_prefetch = 0 : i64, scratch_operands = 7 : i64, tpu.core_type = #tpu.core_type<sc_vector_subcore>, window_params = [{transform_indices = #map}, {transform_indices = #map1}, {transform_indices = #map}]} {
    %mul3A = arith.constant 2 : i32
    %mul3A_0 = arith.muli %arg1, %mul3A : i32
    %add3A = arith.addi %mul3A_0, %arg0 : i32
    %mul3A_1 = arith.constant 4096 : i32
    %mul3A_2 = arith.muli %add3A, %mul3A_1 : i32
    "tpu.region"() ({
      %run_scoped3A = tpu.sem_alloc : memref<!tpu.dma_semaphore, #tpu.memory_space<semaphore_mem>>
      %dma_start3A_21 = arith.constant 0 : i32
      %dma_start3A_22 = arith.constant 0 : i32
      %dma_start3A_23 = tpu.memref_slice %arg3[%add3A, %dma_start3A_21, %dma_start3A_22] : memref<32x32x128xi32, #tpu.memory_space<hbm>> -> memref<1x32x128xi32, #tpu.memory_space<hbm>>
      %dma_start3A_24 = tpu.memref_squeeze %dma_start3A_23 : memref<1x32x128xi32, #tpu.memory_space<hbm>> -> memref<32x128xi32, #tpu.memory_space<hbm>>
      %dma_start3A_25 = arith.constant 0 : i32
      %dma_start3A_26 = arith.constant 0 : i32
      %dma_start3A_27 = tpu.memref_slice %arg3[%add3A, %dma_start3A_25, %dma_start3A_26] : memref<32x32x128xi32, #tpu.memory_space<hbm>> -> memref<1x32x128xi32, #tpu.memory_space<hbm>>
      %dma_start3A_28 = tpu.memref_squeeze %dma_start3A_27 : memref<1x32x128xi32, #tpu.memory_space<hbm>> -> memref<32x128xi32, #tpu.memory_space<hbm>>
      tpu.enqueue_dma source(%dma_start3A_28 : memref<32x128xi32, #tpu.memory_space<hbm>>) target(%arg5 : memref<32x128xi32, #tpu.memory_space<vmem>>) target_semaphore(%run_scoped3A : memref<!tpu.dma_semaphore, #tpu.memory_space<semaphore_mem>>)
      %dma_wait3A_29 = arith.constant 0 : i32
      %dma_wait3A_30 = arith.constant 0 : i32
      %dma_wait3A_31 = tpu.memref_slice %arg3[%add3A, %dma_wait3A_29, %dma_wait3A_30] : memref<32x32x128xi32, #tpu.memory_space<hbm>> -> memref<1x32x128xi32, #tpu.memory_space<hbm>>
      %dma_wait3A_32 = tpu.memref_squeeze %dma_wait3A_31 : memref<1x32x128xi32, #tpu.memory_space<hbm>> -> memref<32x128xi32, #tpu.memory_space<hbm>>
      %dma_wait3A_33 = arith.constant 0 : i32
      %dma_wait3A_34 = arith.constant 0 : i32
      %dma_wait3A_35 = tpu.memref_slice %arg3[%add3A, %dma_wait3A_33, %dma_wait3A_34] : memref<32x32x128xi32, #tpu.memory_space<hbm>> -> memref<1x32x128xi32, #tpu.memory_space<hbm>>
      %dma_wait3A_36 = tpu.memref_squeeze %dma_wait3A_35 : memref<1x32x128xi32, #tpu.memory_space<hbm>> -> memref<32x128xi32, #tpu.memory_space<hbm>>
      tpu.wait_dma2 semaphore(%run_scoped3A : memref<!tpu.dma_semaphore, #tpu.memory_space<semaphore_mem>>) src(%dma_wait3A_36 : memref<32x128xi32, #tpu.memory_space<hbm>>) dst(%arg5 : memref<32x128xi32, #tpu.memory_space<vmem>>)
      tpu.yield
    }) : () -> ()
    %dma_start3A = arith.constant 0 : i32
    %dma_start3A_3 = arith.constant 0 : i32
    %dma_start3A_4 = tpu.memref_slice %arg5[%dma_start3A, %dma_start3A_3] : memref<32x128xi32, #tpu.memory_space<vmem>> -> memref<1x128xi32, #tpu.memory_space<vmem>>
    %dma_start3A_5 = tpu.memref_squeeze %dma_start3A_4 : memref<1x128xi32, #tpu.memory_space<vmem>> -> memref<128xi32, #tpu.memory_space<vmem>>
    %dma_start3A_6 = arith.constant 0 : i32
    %dma_start3A_7 = arith.constant 0 : i32
    %dma_start3A_8 = tpu.memref_slice %arg2[%dma_start3A_6, %dma_start3A_7] : memref<100000x128xf32, #tpu.memory_space<hbm>> -> memref<100000x128xf32, #tpu.memory_space<hbm>>
    tpu.enqueue_indirect_dma source(%dma_start3A_8 : memref<100000x128xf32, #tpu.memory_space<hbm>>) target(%arg6 : memref<128x128xf32, #tpu.memory_space<vmem>>) offsets(%dma_start3A_5 : memref<128xi32, #tpu.memory_space<vmem>>) semaphore(%arg8 : memref<!tpu.dma_semaphore, #tpu.memory_space<semaphore_mem>>)
    %scan3A = arith.constant 0 : i32
    %scan3A_9 = arith.constant 0 : i32
    %scan3A_10 = arith.constant 16 : i32
    %scan3A_11 = arith.addi %scan3A_9, %scan3A_10 : i32
    %scan3A_12 = arith.constant 1 : i32
    scf.for %scan3A_21 = %scan3A_9 to %scan3A_11 step %scan3A_12  : i32 {
      %mul3A_22 = arith.constant 2 : i32
      %mul3A_23 = arith.muli %mul3A_22, %scan3A_21 : i32
      %add3A_24 = arith.constant 0 : i32
      %add3A_25 = arith.addi %mul3A_23, %add3A_24 : i32
      %add3A_26 = arith.constant 1 : i32
      %add3A_27 = arith.addi %add3A_25, %add3A_26 : i32
      %lt3A = arith.constant 32 : i32
      %lt3A_28 = arith.cmpi slt, %add3A_27, %lt3A : i32
      %convert_element_type3A = arith.extui %lt3A_28 : i1 to i32
      %cond3A = arith.constant 0 : i32
      %cond3A_29 = arith.cmpi ne, %convert_element_type3A, %cond3A : i32
      scf.if %cond3A_29 {
        %ge3A = arith.constant 1 : i32
        %ge3A_67 = arith.cmpi sge, %add3A_25, %ge3A : i32
        %convert_element_type3A_68 = arith.extui %ge3A_67 : i1 to i32
        %cond3A_69 = arith.constant 0 : i32
        %cond3A_70 = arith.cmpi ne, %convert_element_type3A_68, %cond3A_69 : i32
        scf.if %cond3A_70 {
          %dma_wait3A_79 = arith.constant 0 : i32
          %dma_wait3A_80 = tpu.memref_slice %arg4[%mul3A_2, %dma_wait3A_79] : memref<131072x128xf32, #tpu.memory_space<hbm>> -> memref<128x128xf32, #tpu.memory_space<hbm>>
          %dma_wait3A_81 = arith.constant 0 : i32
          %dma_wait3A_82 = tpu.memref_slice %arg4[%mul3A_2, %dma_wait3A_81] : memref<131072x128xf32, #tpu.memory_space<hbm>> -> memref<128x128xf32, #tpu.memory_space<hbm>>
          tpu.wait_dma2 semaphore(%arg11 : memref<!tpu.dma_semaphore, #tpu.memory_space<semaphore_mem>>) src(%arg7 : memref<128x128xf32, #tpu.memory_space<vmem>>) dst(%dma_wait3A_82 : memref<128x128xf32, #tpu.memory_space<hbm>>)
        } else {
        }
        %add3A_71 = arith.constant 1 : i32
        %add3A_72 = arith.addi %add3A_25, %add3A_71 : i32
        %dma_start3A_73 = arith.constant 0 : i32
        %dma_start3A_74 = tpu.memref_slice %arg5[%add3A_72, %dma_start3A_73] : memref<32x128xi32, #tpu.memory_space<vmem>> -> memref<1x128xi32, #tpu.memory_space<vmem>>
        %dma_start3A_75 = tpu.memref_squeeze %dma_start3A_74 : memref<1x128xi32, #tpu.memory_space<vmem>> -> memref<128xi32, #tpu.memory_space<vmem>>
        %dma_start3A_76 = arith.constant 0 : i32
        %dma_start3A_77 = arith.constant 0 : i32
        %dma_start3A_78 = tpu.memref_slice %arg2[%dma_start3A_76, %dma_start3A_77] : memref<100000x128xf32, #tpu.memory_space<hbm>> -> memref<100000x128xf32, #tpu.memory_space<hbm>>
        tpu.enqueue_indirect_dma source(%dma_start3A_78 : memref<100000x128xf32, #tpu.memory_space<hbm>>) target(%arg7 : memref<128x128xf32, #tpu.memory_space<vmem>>) offsets(%dma_start3A_75 : memref<128xi32, #tpu.memory_space<vmem>>) semaphore(%arg9 : memref<!tpu.dma_semaphore, #tpu.memory_space<semaphore_mem>>)
      } else {
      }
      %dma_wait3A_30 = arith.constant 0 : i32
      %dma_wait3A_31 = tpu.memref_slice %arg5[%add3A_25, %dma_wait3A_30] : memref<32x128xi32, #tpu.memory_space<vmem>> -> memref<1x128xi32, #tpu.memory_space<vmem>>
      %dma_wait3A_32 = tpu.memref_squeeze %dma_wait3A_31 : memref<1x128xi32, #tpu.memory_space<vmem>> -> memref<128xi32, #tpu.memory_space<vmem>>
      %dma_wait3A_33 = arith.constant 0 : i32
      %dma_wait3A_34 = arith.constant 0 : i32
      %dma_wait3A_35 = tpu.memref_slice %arg2[%dma_wait3A_33, %dma_wait3A_34] : memref<100000x128xf32, #tpu.memory_space<hbm>> -> memref<100000x128xf32, #tpu.memory_space<hbm>>
      tpu.wait_indirect_dma semaphore(%arg8 : memref<!tpu.dma_semaphore, #tpu.memory_space<semaphore_mem>>) src(%dma_wait3A_35 : memref<100000x128xf32, #tpu.memory_space<hbm>>) dst(%arg6 : memref<128x128xf32, #tpu.memory_space<vmem>>)
      %mul3A_36 = arith.constant 128 : i32
      %mul3A_37 = arith.muli %add3A_25, %mul3A_36 : i32
      %add3A_38 = arith.addi %mul3A_2, %mul3A_37 : i32
      %dma_start3A_39 = arith.constant 0 : i32
      %dma_start3A_40 = tpu.memref_slice %arg4[%add3A_38, %dma_start3A_39] : memref<131072x128xf32, #tpu.memory_space<hbm>> -> memref<128x128xf32, #tpu.memory_space<hbm>>
      %dma_start3A_41 = arith.constant 0 : i32
      %dma_start3A_42 = tpu.memref_slice %arg4[%add3A_38, %dma_start3A_41] : memref<131072x128xf32, #tpu.memory_space<hbm>> -> memref<128x128xf32, #tpu.memory_space<hbm>>
      tpu.enqueue_dma source(%arg6 : memref<128x128xf32, #tpu.memory_space<vmem>>) target(%dma_start3A_42 : memref<128x128xf32, #tpu.memory_space<hbm>>) target_semaphore(%arg10 : memref<!tpu.dma_semaphore, #tpu.memory_space<semaphore_mem>>)
      %mul3A_43 = arith.constant 2 : i32
      %mul3A_44 = arith.muli %mul3A_43, %scan3A_21 : i32
      %add3A_45 = arith.constant 1 : i32
      %add3A_46 = arith.addi %mul3A_44, %add3A_45 : i32
      %add3A_47 = arith.constant 1 : i32
      %add3A_48 = arith.addi %add3A_46, %add3A_47 : i32
      %lt3A_49 = arith.constant 32 : i32
      %lt3A_50 = arith.cmpi slt, %add3A_48, %lt3A_49 : i32
      %convert_element_type3A_51 = arith.extui %lt3A_50 : i1 to i32
      %cond3A_52 = arith.constant 0 : i32
      %cond3A_53 = arith.cmpi ne, %convert_element_type3A_51, %cond3A_52 : i32
      scf.if %cond3A_53 {
        %ge3A = arith.constant 1 : i32
        %ge3A_67 = arith.cmpi sge, %add3A_46, %ge3A : i32
        %convert_element_type3A_68 = arith.extui %ge3A_67 : i1 to i32
        %cond3A_69 = arith.constant 0 : i32
        %cond3A_70 = arith.cmpi ne, %convert_element_type3A_68, %cond3A_69 : i32
        scf.if %cond3A_70 {
          %dma_wait3A_79 = arith.constant 0 : i32
          %dma_wait3A_80 = tpu.memref_slice %arg4[%mul3A_2, %dma_wait3A_79] : memref<131072x128xf32, #tpu.memory_space<hbm>> -> memref<128x128xf32, #tpu.memory_space<hbm>>
          %dma_wait3A_81 = arith.constant 0 : i32
          %dma_wait3A_82 = tpu.memref_slice %arg4[%mul3A_2, %dma_wait3A_81] : memref<131072x128xf32, #tpu.memory_space<hbm>> -> memref<128x128xf32, #tpu.memory_space<hbm>>
          tpu.wait_dma2 semaphore(%arg10 : memref<!tpu.dma_semaphore, #tpu.memory_space<semaphore_mem>>) src(%arg6 : memref<128x128xf32, #tpu.memory_space<vmem>>) dst(%dma_wait3A_82 : memref<128x128xf32, #tpu.memory_space<hbm>>)
        } else {
        }
        %add3A_71 = arith.constant 1 : i32
        %add3A_72 = arith.addi %add3A_46, %add3A_71 : i32
        %dma_start3A_73 = arith.constant 0 : i32
        %dma_start3A_74 = tpu.memref_slice %arg5[%add3A_72, %dma_start3A_73] : memref<32x128xi32, #tpu.memory_space<vmem>> -> memref<1x128xi32, #tpu.memory_space<vmem>>
        %dma_start3A_75 = tpu.memref_squeeze %dma_start3A_74 : memref<1x128xi32, #tpu.memory_space<vmem>> -> memref<128xi32, #tpu.memory_space<vmem>>
        %dma_start3A_76 = arith.constant 0 : i32
        %dma_start3A_77 = arith.constant 0 : i32
        %dma_start3A_78 = tpu.memref_slice %arg2[%dma_start3A_76, %dma_start3A_77] : memref<100000x128xf32, #tpu.memory_space<hbm>> -> memref<100000x128xf32, #tpu.memory_space<hbm>>
        tpu.enqueue_indirect_dma source(%dma_start3A_78 : memref<100000x128xf32, #tpu.memory_space<hbm>>) target(%arg6 : memref<128x128xf32, #tpu.memory_space<vmem>>) offsets(%dma_start3A_75 : memref<128xi32, #tpu.memory_space<vmem>>) semaphore(%arg8 : memref<!tpu.dma_semaphore, #tpu.memory_space<semaphore_mem>>)
      } else {
      }
      %dma_wait3A_54 = arith.constant 0 : i32
      %dma_wait3A_55 = tpu.memref_slice %arg5[%add3A_46, %dma_wait3A_54] : memref<32x128xi32, #tpu.memory_space<vmem>> -> memref<1x128xi32, #tpu.memory_space<vmem>>
      %dma_wait3A_56 = tpu.memref_squeeze %dma_wait3A_55 : memref<1x128xi32, #tpu.memory_space<vmem>> -> memref<128xi32, #tpu.memory_space<vmem>>
      %dma_wait3A_57 = arith.constant 0 : i32
      %dma_wait3A_58 = arith.constant 0 : i32
      %dma_wait3A_59 = tpu.memref_slice %arg2[%dma_wait3A_57, %dma_wait3A_58] : memref<100000x128xf32, #tpu.memory_space<hbm>> -> memref<100000x128xf32, #tpu.memory_space<hbm>>
      tpu.wait_indirect_dma semaphore(%arg9 : memref<!tpu.dma_semaphore, #tpu.memory_space<semaphore_mem>>) src(%dma_wait3A_59 : memref<100000x128xf32, #tpu.memory_space<hbm>>) dst(%arg7 : memref<128x128xf32, #tpu.memory_space<vmem>>)
      %mul3A_60 = arith.constant 128 : i32
      %mul3A_61 = arith.muli %add3A_46, %mul3A_60 : i32
      %add3A_62 = arith.addi %mul3A_2, %mul3A_61 : i32
      %dma_start3A_63 = arith.constant 0 : i32
      %dma_start3A_64 = tpu.memref_slice %arg4[%add3A_62, %dma_start3A_63] : memref<131072x128xf32, #tpu.memory_space<hbm>> -> memref<128x128xf32, #tpu.memory_space<hbm>>
      %dma_start3A_65 = arith.constant 0 : i32
      %dma_start3A_66 = tpu.memref_slice %arg4[%add3A_62, %dma_start3A_65] : memref<131072x128xf32, #tpu.memory_space<hbm>> -> memref<128x128xf32, #tpu.memory_space<hbm>>
      tpu.enqueue_dma source(%arg7 : memref<128x128xf32, #tpu.memory_space<vmem>>) target(%dma_start3A_66 : memref<128x128xf32, #tpu.memory_space<hbm>>) target_semaphore(%arg11 : memref<!tpu.dma_semaphore, #tpu.memory_space<semaphore_mem>>)
    }
    %scan3A_13 = arith.constant 16 : i32
    %dma_wait3A = arith.constant 0 : i32
    %dma_wait3A_14 = tpu.memref_slice %arg4[%mul3A_2, %dma_wait3A] : memref<131072x128xf32, #tpu.memory_space<hbm>> -> memref<128x128xf32, #tpu.memory_space<hbm>>
    %dma_wait3A_15 = arith.constant 0 : i32
    %dma_wait3A_16 = tpu.memref_slice %arg4[%mul3A_2, %dma_wait3A_15] : memref<131072x128xf32, #tpu.memory_space<hbm>> -> memref<128x128xf32, #tpu.memory_space<hbm>>
    tpu.wait_dma2 semaphore(%arg10 : memref<!tpu.dma_semaphore, #tpu.memory_space<semaphore_mem>>) src(%arg6 : memref<128x128xf32, #tpu.memory_space<vmem>>) dst(%dma_wait3A_16 : memref<128x128xf32, #tpu.memory_space<hbm>>)
    %dma_wait3A_17 = arith.constant 0 : i32
    %dma_wait3A_18 = tpu.memref_slice %arg4[%mul3A_2, %dma_wait3A_17] : memref<131072x128xf32, #tpu.memory_space<hbm>> -> memref<128x128xf32, #tpu.memory_space<hbm>>
    %dma_wait3A_19 = arith.constant 0 : i32
    %dma_wait3A_20 = tpu.memref_slice %arg4[%mul3A_2, %dma_wait3A_19] : memref<131072x128xf32, #tpu.memory_space<hbm>> -> memref<128x128xf32, #tpu.memory_space<hbm>>
    tpu.wait_dma2 semaphore(%arg11 : memref<!tpu.dma_semaphore, #tpu.memory_space<semaphore_mem>>) src(%arg7 : memref<128x128xf32, #tpu.memory_space<vmem>>) dst(%dma_wait3A_20 : memref<128x128xf32, #tpu.memory_space<hbm>>)
    return
  }
}

#map = affine_map<(d0, d1) -> (0, 0)>
#map1 = affine_map<(d0, d1) -> (0, 0, 0)>
module attributes {stable_mosaic.version = 14 : i64} {
  func.func @k(%arg0: i32, %arg1: i32, %arg2: memref<100000x128xf32, #tpu.memory_space<hbm>>, %arg3: memref<32x32x128xi32, #tpu.memory_space<hbm>>, %arg4: memref<131072x128xf32, #tpu.memory_space<hbm>>, %arg5: memref<32x128xi32, #tpu.memory_space<vmem>>, %arg6: memref<128x128xf32, #tpu.memory_space<vmem>>, %arg7: memref<128x128xf32, #tpu.memory_space<vmem>>, %arg8: memref<!tpu.dma_semaphore, #tpu.memory_space<semaphore_mem>>, %arg9: memref<!tpu.dma_semaphore, #tpu.memory_space<semaphore_mem>>, %arg10: memref<!tpu.dma_semaphore, #tpu.memory_space<semaphore_mem>>, %arg11: memref<!tpu.dma_semaphore, #tpu.memory_space<semaphore_mem>>) attributes {dimension_semantics = [#tpu.dimension_semantics<core_parallel>, #tpu.dimension_semantics<subcore_parallel>], iteration_bounds = array<i64: 2, 16>, scalar_prefetch = 0 : i64, scratch_operands = 7 : i64, tpu.core_type = #tpu.core_type<sc_vector_subcore>, window_params = [{transform_indices = #map}, {transform_indices = #map1}, {transform_indices = #map}]} {
    %mul3A = arith.constant 2 : i32
    %mul3A_0 = arith.muli %arg1, %mul3A : i32
    %add3A = arith.addi %mul3A_0, %arg0 : i32
    %mul3A_1 = arith.constant 4096 : i32
    %mul3A_2 = arith.muli %add3A, %mul3A_1 : i32
    "tpu.region"() ({
      %run_scoped3A = tpu.sem_alloc : memref<!tpu.dma_semaphore, #tpu.memory_space<semaphore_mem>>
      %dma_start3A_21 = arith.constant 0 : i32
      %dma_start3A_22 = arith.constant 0 : i32
      %dma_start3A_23 = tpu.memref_slice %arg3[%add3A, %dma_start3A_21, %dma_start3A_22] : memref<32x32x128xi32, #tpu.memory_space<hbm>> -> memref<1x32x128xi32, #tpu.memory_space<hbm>>
      %dma_start3A_24 = tpu.memref_squeeze %dma_start3A_23 : memref<1x32x128xi32, #tpu.memory_space<hbm>> -> memref<32x128xi32, #tpu.memory_space<hbm>>
      %dma_start3A_25 = arith.constant 0 : i32
      %dma_start3A_26 = arith.constant 0 : i32
      %dma_start3A_27 = tpu.memref_slice %arg3[%add3A, %dma_start3A_25, %dma_start3A_26] : memref<32x32x128xi32, #tpu.memory_space<hbm>> -> memref<1x32x128xi32, #tpu.memory_space<hbm>>
      %dma_start3A_28 = tpu.memref_squeeze %dma_start3A_27 : memref<1x32x128xi32, #tpu.memory_space<hbm>> -> memref<32x128xi32, #tpu.memory_space<hbm>>
      tpu.enqueue_dma source(%dma_start3A_28 : memref<32x128xi32, #tpu.memory_space<hbm>>) target(%arg5 : memref<32x128xi32, #tpu.memory_space<vmem>>) target_semaphore(%run_scoped3A : memref<!tpu.dma_semaphore, #tpu.memory_space<semaphore_mem>>)
      %dma_wait3A_29 = arith.constant 0 : i32
      %dma_wait3A_30 = arith.constant 0 : i32
      %dma_wait3A_31 = tpu.memref_slice %arg3[%add3A, %dma_wait3A_29, %dma_wait3A_30] : memref<32x32x128xi32, #tpu.memory_space<hbm>> -> memref<1x32x128xi32, #tpu.memory_space<hbm>>
      %dma_wait3A_32 = tpu.memref_squeeze %dma_wait3A_31 : memref<1x32x128xi32, #tpu.memory_space<hbm>> -> memref<32x128xi32, #tpu.memory_space<hbm>>
      %dma_wait3A_33 = arith.constant 0 : i32
      %dma_wait3A_34 = arith.constant 0 : i32
      %dma_wait3A_35 = tpu.memref_slice %arg3[%add3A, %dma_wait3A_33, %dma_wait3A_34] : memref<32x32x128xi32, #tpu.memory_space<hbm>> -> memref<1x32x128xi32, #tpu.memory_space<hbm>>
      %dma_wait3A_36 = tpu.memref_squeeze %dma_wait3A_35 : memref<1x32x128xi32, #tpu.memory_space<hbm>> -> memref<32x128xi32, #tpu.memory_space<hbm>>
      tpu.wait_dma2 semaphore(%run_scoped3A : memref<!tpu.dma_semaphore, #tpu.memory_space<semaphore_mem>>) src(%dma_wait3A_36 : memref<32x128xi32, #tpu.memory_space<hbm>>) dst(%arg5 : memref<32x128xi32, #tpu.memory_space<vmem>>)
      tpu.yield
    }) : () -> ()
    %dma_start3A = arith.constant 0 : i32
    %dma_start3A_3 = arith.constant 0 : i32
    %dma_start3A_4 = tpu.memref_slice %arg5[%dma_start3A, %dma_start3A_3] : memref<32x128xi32, #tpu.memory_space<vmem>> -> memref<1x128xi32, #tpu.memory_space<vmem>>
    %dma_start3A_5 = tpu.memref_squeeze %dma_start3A_4 : memref<1x128xi32, #tpu.memory_space<vmem>> -> memref<128xi32, #tpu.memory_space<vmem>>
    %dma_start3A_6 = arith.constant 0 : i32
    %dma_start3A_7 = arith.constant 0 : i32
    %dma_start3A_8 = tpu.memref_slice %arg2[%dma_start3A_6, %dma_start3A_7] : memref<100000x128xf32, #tpu.memory_space<hbm>> -> memref<100000x128xf32, #tpu.memory_space<hbm>>
    tpu.enqueue_indirect_dma source(%dma_start3A_8 : memref<100000x128xf32, #tpu.memory_space<hbm>>) target(%arg6 : memref<128x128xf32, #tpu.memory_space<vmem>>) offsets(%dma_start3A_5 : memref<128xi32, #tpu.memory_space<vmem>>) semaphore(%arg8 : memref<!tpu.dma_semaphore, #tpu.memory_space<semaphore_mem>>)
    %scan3A = arith.constant 0 : i32
    %scan3A_9 = arith.constant 0 : i32
    %scan3A_10 = arith.constant 16 : i32
    %scan3A_11 = arith.addi %scan3A_9, %scan3A_10 : i32
    %scan3A_12 = arith.constant 1 : i32
    scf.for %scan3A_21 = %scan3A_9 to %scan3A_11 step %scan3A_12  : i32 {
      %mul3A_22 = arith.constant 2 : i32
      %mul3A_23 = arith.muli %mul3A_22, %scan3A_21 : i32
      %add3A_24 = arith.constant 0 : i32
      %add3A_25 = arith.addi %mul3A_23, %add3A_24 : i32
      %add3A_26 = arith.constant 1 : i32
      %add3A_27 = arith.addi %add3A_25, %add3A_26 : i32
      %lt3A = arith.constant 32 : i32
      %lt3A_28 = arith.cmpi slt, %add3A_27, %lt3A : i32
      %convert_element_type3A = arith.extui %lt3A_28 : i1 to i32
      %cond3A = arith.constant 0 : i32
      %cond3A_29 = arith.cmpi ne, %convert_element_type3A, %cond3A : i32
      scf.if %cond3A_29 {
        %ge3A = arith.constant 1 : i32
        %ge3A_67 = arith.cmpi sge, %add3A_25, %ge3A : i32
        %convert_element_type3A_68 = arith.extui %ge3A_67 : i1 to i32
        %cond3A_69 = arith.constant 0 : i32
        %cond3A_70 = arith.cmpi ne, %convert_element_type3A_68, %cond3A_69 : i32
        scf.if %cond3A_70 {
          %dma_wait3A_79 = arith.constant 0 : i32
          %dma_wait3A_80 = tpu.memref_slice %arg4[%mul3A_2, %dma_wait3A_79] : memref<131072x128xf32, #tpu.memory_space<hbm>> -> memref<128x128xf32, #tpu.memory_space<hbm>>
          %dma_wait3A_81 = arith.constant 0 : i32
          %dma_wait3A_82 = tpu.memref_slice %arg4[%mul3A_2, %dma_wait3A_81] : memref<131072x128xf32, #tpu.memory_space<hbm>> -> memref<128x128xf32, #tpu.memory_space<hbm>>
          tpu.wait_dma2 semaphore(%arg11 : memref<!tpu.dma_semaphore, #tpu.memory_space<semaphore_mem>>) src(%arg7 : memref<128x128xf32, #tpu.memory_space<vmem>>) dst(%dma_wait3A_82 : memref<128x128xf32, #tpu.memory_space<hbm>>)
        } else {
        }
        %add3A_71 = arith.constant 1 : i32
        %add3A_72 = arith.addi %add3A_25, %add3A_71 : i32
        %dma_start3A_73 = arith.constant 0 : i32
        %dma_start3A_74 = tpu.memref_slice %arg5[%add3A_72, %dma_start3A_73] : memref<32x128xi32, #tpu.memory_space<vmem>> -> memref<1x128xi32, #tpu.memory_space<vmem>>
        %dma_start3A_75 = tpu.memref_squeeze %dma_start3A_74 : memref<1x128xi32, #tpu.memory_space<vmem>> -> memref<128xi32, #tpu.memory_space<vmem>>
        %dma_start3A_76 = arith.constant 0 : i32
        %dma_start3A_77 = arith.constant 0 : i32
        %dma_start3A_78 = tpu.memref_slice %arg2[%dma_start3A_76, %dma_start3A_77] : memref<100000x128xf32, #tpu.memory_space<hbm>> -> memref<100000x128xf32, #tpu.memory_space<hbm>>
        tpu.enqueue_indirect_dma source(%dma_start3A_78 : memref<100000x128xf32, #tpu.memory_space<hbm>>) target(%arg7 : memref<128x128xf32, #tpu.memory_space<vmem>>) offsets(%dma_start3A_75 : memref<128xi32, #tpu.memory_space<vmem>>) semaphore(%arg9 : memref<!tpu.dma_semaphore, #tpu.memory_space<semaphore_mem>>)
      } else {
      }
      %dma_wait3A_30 = arith.constant 0 : i32
      %dma_wait3A_31 = tpu.memref_slice %arg5[%add3A_25, %dma_wait3A_30] : memref<32x128xi32, #tpu.memory_space<vmem>> -> memref<1x128xi32, #tpu.memory_space<vmem>>
      %dma_wait3A_32 = tpu.memref_squeeze %dma_wait3A_31 : memref<1x128xi32, #tpu.memory_space<vmem>> -> memref<128xi32, #tpu.memory_space<vmem>>
      %dma_wait3A_33 = arith.constant 0 : i32
      %dma_wait3A_34 = arith.constant 0 : i32
      %dma_wait3A_35 = tpu.memref_slice %arg2[%dma_wait3A_33, %dma_wait3A_34] : memref<100000x128xf32, #tpu.memory_space<hbm>> -> memref<100000x128xf32, #tpu.memory_space<hbm>>
      tpu.wait_indirect_dma semaphore(%arg8 : memref<!tpu.dma_semaphore, #tpu.memory_space<semaphore_mem>>) src(%dma_wait3A_35 : memref<100000x128xf32, #tpu.memory_space<hbm>>) dst(%arg6 : memref<128x128xf32, #tpu.memory_space<vmem>>)
      %mul3A_36 = arith.constant 128 : i32
      %mul3A_37 = arith.muli %add3A_25, %mul3A_36 : i32
      %add3A_38 = arith.addi %mul3A_2, %mul3A_37 : i32
      %dma_start3A_39 = arith.constant 0 : i32
      %dma_start3A_40 = tpu.memref_slice %arg4[%add3A_38, %dma_start3A_39] : memref<131072x128xf32, #tpu.memory_space<hbm>> -> memref<128x128xf32, #tpu.memory_space<hbm>>
      %dma_start3A_41 = arith.constant 0 : i32
      %dma_start3A_42 = tpu.memref_slice %arg4[%add3A_38, %dma_start3A_41] : memref<131072x128xf32, #tpu.memory_space<hbm>> -> memref<128x128xf32, #tpu.memory_space<hbm>>
      tpu.enqueue_dma source(%arg6 : memref<128x128xf32, #tpu.memory_space<vmem>>) target(%dma_start3A_42 : memref<128x128xf32, #tpu.memory_space<hbm>>) target_semaphore(%arg10 : memref<!tpu.dma_semaphore, #tpu.memory_space<semaphore_mem>>)
      %mul3A_43 = arith.constant 2 : i32
      %mul3A_44 = arith.muli %mul3A_43, %scan3A_21 : i32
      %add3A_45 = arith.constant 1 : i32
      %add3A_46 = arith.addi %mul3A_44, %add3A_45 : i32
      %add3A_47 = arith.constant 1 : i32
      %add3A_48 = arith.addi %add3A_46, %add3A_47 : i32
      %lt3A_49 = arith.constant 32 : i32
      %lt3A_50 = arith.cmpi slt, %add3A_48, %lt3A_49 : i32
      %convert_element_type3A_51 = arith.extui %lt3A_50 : i1 to i32
      %cond3A_52 = arith.constant 0 : i32
      %cond3A_53 = arith.cmpi ne, %convert_element_type3A_51, %cond3A_52 : i32
      scf.if %cond3A_53 {
        %ge3A = arith.constant 1 : i32
        %ge3A_67 = arith.cmpi sge, %add3A_46, %ge3A : i32
        %convert_element_type3A_68 = arith.extui %ge3A_67 : i1 to i32
        %cond3A_69 = arith.constant 0 : i32
        %cond3A_70 = arith.cmpi ne, %convert_element_type3A_68, %cond3A_69 : i32
        scf.if %cond3A_70 {
          %dma_wait3A_79 = arith.constant 0 : i32
          %dma_wait3A_80 = tpu.memref_slice %arg4[%mul3A_2, %dma_wait3A_79] : memref<131072x128xf32, #tpu.memory_space<hbm>> -> memref<128x128xf32, #tpu.memory_space<hbm>>
          %dma_wait3A_81 = arith.constant 0 : i32
          %dma_wait3A_82 = tpu.memref_slice %arg4[%mul3A_2, %dma_wait3A_81] : memref<131072x128xf32, #tpu.memory_space<hbm>> -> memref<128x128xf32, #tpu.memory_space<hbm>>
          tpu.wait_dma2 semaphore(%arg10 : memref<!tpu.dma_semaphore, #tpu.memory_space<semaphore_mem>>) src(%arg6 : memref<128x128xf32, #tpu.memory_space<vmem>>) dst(%dma_wait3A_82 : memref<128x128xf32, #tpu.memory_space<hbm>>)
        } else {
        }
        %add3A_71 = arith.constant 1 : i32
        %add3A_72 = arith.addi %add3A_46, %add3A_71 : i32
        %dma_start3A_73 = arith.constant 0 : i32
        %dma_start3A_74 = tpu.memref_slice %arg5[%add3A_72, %dma_start3A_73] : memref<32x128xi32, #tpu.memory_space<vmem>> -> memref<1x128xi32, #tpu.memory_space<vmem>>
        %dma_start3A_75 = tpu.memref_squeeze %dma_start3A_74 : memref<1x128xi32, #tpu.memory_space<vmem>> -> memref<128xi32, #tpu.memory_space<vmem>>
        %dma_start3A_76 = arith.constant 0 : i32
        %dma_start3A_77 = arith.constant 0 : i32
        %dma_start3A_78 = tpu.memref_slice %arg2[%dma_start3A_76, %dma_start3A_77] : memref<100000x128xf32, #tpu.memory_space<hbm>> -> memref<100000x128xf32, #tpu.memory_space<hbm>>
        tpu.enqueue_indirect_dma source(%dma_start3A_78 : memref<100000x128xf32, #tpu.memory_space<hbm>>) target(%arg6 : memref<128x128xf32, #tpu.memory_space<vmem>>) offsets(%dma_start3A_75 : memref<128xi32, #tpu.memory_space<vmem>>) semaphore(%arg8 : memref<!tpu.dma_semaphore, #tpu.memory_space<semaphore_mem>>)
      } else {
      }
      %dma_wait3A_54 = arith.constant 0 : i32
      %dma_wait3A_55 = tpu.memref_slice %arg5[%add3A_46, %dma_wait3A_54] : memref<32x128xi32, #tpu.memory_space<vmem>> -> memref<1x128xi32, #tpu.memory_space<vmem>>
      %dma_wait3A_56 = tpu.memref_squeeze %dma_wait3A_55 : memref<1x128xi32, #tpu.memory_space<vmem>> -> memref<128xi32, #tpu.memory_space<vmem>>
      %dma_wait3A_57 = arith.constant 0 : i32
      %dma_wait3A_58 = arith.constant 0 : i32
      %dma_wait3A_59 = tpu.memref_slice %arg2[%dma_wait3A_57, %dma_wait3A_58] : memref<100000x128xf32, #tpu.memory_space<hbm>> -> memref<100000x128xf32, #tpu.memory_space<hbm>>
      tpu.wait_indirect_dma semaphore(%arg9 : memref<!tpu.dma_semaphore, #tpu.memory_space<semaphore_mem>>) src(%dma_wait3A_59 : memref<100000x128xf32, #tpu.memory_space<hbm>>) dst(%arg7 : memref<128x128xf32, #tpu.memory_space<vmem>>)
      %mul3A_60 = arith.constant 128 : i32
      %mul3A_61 = arith.muli %add3A_46, %mul3A_60 : i32
      %add3A_62 = arith.addi %mul3A_2, %mul3A_61 : i32
      %dma_start3A_63 = arith.constant 0 : i32
      %dma_start3A_64 = tpu.memref_slice %arg4[%add3A_62, %dma_start3A_63] : memref<131072x128xf32, #tpu.memory_space<hbm>> -> memref<128x128xf32, #tpu.memory_space<hbm>>
      %dma_start3A_65 = arith.constant 0 : i32
      %dma_start3A_66 = tpu.memref_slice %arg4[%add3A_62, %dma_start3A_65] : memref<131072x128xf32, #tpu.memory_space<hbm>> -> memref<128x128xf32, #tpu.memory_space<hbm>>
      tpu.enqueue_dma source(%arg7 : memref<128x128xf32, #tpu.memory_space<vmem>>) target(%dma_start3A_66 : memref<128x128xf32, #tpu.memory_space<hbm>>) target_semaphore(%arg11 : memref<!tpu.dma_semaphore, #tpu.memory_space<semaphore_mem>>)
    }
    %scan3A_13 = arith.constant 16 : i32
    %dma_wait3A = arith.constant 0 : i32
    %dma_wait3A_14 = tpu.memref_slice %arg4[%mul3A_2, %dma_wait3A] : memref<131072x128xf32, #tpu.memory_space<hbm>> -> memref<128x128xf32, #tpu.memory_space<hbm>>
    %dma_wait3A_15 = arith.constant 0 : i32
    %dma_wait3A_16 = tpu.memref_slice %arg4[%mul3A_2, %dma_wait3A_15] : memref<131072x128xf32, #tpu.memory_space<hbm>> -> memref<128x128xf32, #tpu.memory_space<hbm>>
    tpu.wait_dma2 semaphore(%arg10 : memref<!tpu.dma_semaphore, #tpu.memory_space<semaphore_mem>>) src(%arg6 : memref<128x128xf32, #tpu.memory_space<vmem>>) dst(%dma_wait3A_16 : memref<128x128xf32, #tpu.memory_space<hbm>>)
    %dma_wait3A_17 = arith.constant 0 : i32
    %dma_wait3A_18 = tpu.memref_slice %arg4[%mul3A_2, %dma_wait3A_17] : memref<131072x128xf32, #tpu.memory_space<hbm>> -> memref<128x128xf32, #tpu.memory_space<hbm>>
    %dma_wait3A_19 = arith.constant 0 : i32
    %dma_wait3A_20 = tpu.memref_slice %arg4[%mul3A_2, %dma_wait3A_19] : memref<131072x128xf32, #tpu.memory_space<hbm>> -> memref<128x128xf32, #tpu.memory_space<hbm>>
    tpu.wait_dma2 semaphore(%arg11 : memref<!tpu.dma_semaphore, #tpu.memory_space<semaphore_mem>>) src(%arg7 : memref<128x128xf32, #tpu.memory_space<vmem>>) dst(%dma_wait3A_20 : memref<128x128xf32, #tpu.memory_space<hbm>>)
    return
  }
}

#map = affine_map<(d0, d1) -> (0, 0)>
#map1 = affine_map<(d0, d1) -> (0, 0, 0)>
module attributes {stable_mosaic.version = 14 : i64} {
  func.func @k(%arg0: i32, %arg1: i32, %arg2: memref<100000x128xf32, #tpu.memory_space<hbm>>, %arg3: memref<32x32x128xi32, #tpu.memory_space<hbm>>, %arg4: memref<131072x128xf32, #tpu.memory_space<hbm>>, %arg5: memref<32x128xi32, #tpu.memory_space<vmem>>, %arg6: memref<128x128xf32, #tpu.memory_space<vmem>>, %arg7: memref<128x128xf32, #tpu.memory_space<vmem>>, %arg8: memref<!tpu.dma_semaphore, #tpu.memory_space<semaphore_mem>>, %arg9: memref<!tpu.dma_semaphore, #tpu.memory_space<semaphore_mem>>, %arg10: memref<!tpu.dma_semaphore, #tpu.memory_space<semaphore_mem>>, %arg11: memref<!tpu.dma_semaphore, #tpu.memory_space<semaphore_mem>>) attributes {dimension_semantics = [#tpu.dimension_semantics<core_parallel>, #tpu.dimension_semantics<subcore_parallel>], iteration_bounds = array<i64: 2, 16>, scalar_prefetch = 0 : i64, scratch_operands = 7 : i64, tpu.core_type = #tpu.core_type<sc_vector_subcore>, window_params = [{transform_indices = #map}, {transform_indices = #map1}, {transform_indices = #map}]} {
    %mul3A = arith.constant 2 : i32
    %mul3A_0 = arith.muli %arg1, %mul3A : i32
    %add3A = arith.addi %mul3A_0, %arg0 : i32
    %mul3A_1 = arith.constant 4096 : i32
    %mul3A_2 = arith.muli %add3A, %mul3A_1 : i32
    "tpu.region"() ({
      %run_scoped3A = tpu.sem_alloc : memref<!tpu.dma_semaphore, #tpu.memory_space<semaphore_mem>>
      %dma_start3A_21 = arith.constant 0 : i32
      %dma_start3A_22 = arith.constant 0 : i32
      %dma_start3A_23 = tpu.memref_slice %arg3[%add3A, %dma_start3A_21, %dma_start3A_22] : memref<32x32x128xi32, #tpu.memory_space<hbm>> -> memref<1x32x128xi32, #tpu.memory_space<hbm>>
      %dma_start3A_24 = tpu.memref_squeeze %dma_start3A_23 : memref<1x32x128xi32, #tpu.memory_space<hbm>> -> memref<32x128xi32, #tpu.memory_space<hbm>>
      %dma_start3A_25 = arith.constant 0 : i32
      %dma_start3A_26 = arith.constant 0 : i32
      %dma_start3A_27 = tpu.memref_slice %arg3[%add3A, %dma_start3A_25, %dma_start3A_26] : memref<32x32x128xi32, #tpu.memory_space<hbm>> -> memref<1x32x128xi32, #tpu.memory_space<hbm>>
      %dma_start3A_28 = tpu.memref_squeeze %dma_start3A_27 : memref<1x32x128xi32, #tpu.memory_space<hbm>> -> memref<32x128xi32, #tpu.memory_space<hbm>>
      tpu.enqueue_dma source(%dma_start3A_28 : memref<32x128xi32, #tpu.memory_space<hbm>>) target(%arg5 : memref<32x128xi32, #tpu.memory_space<vmem>>) target_semaphore(%run_scoped3A : memref<!tpu.dma_semaphore, #tpu.memory_space<semaphore_mem>>)
      %dma_wait3A_29 = arith.constant 0 : i32
      %dma_wait3A_30 = arith.constant 0 : i32
      %dma_wait3A_31 = tpu.memref_slice %arg3[%add3A, %dma_wait3A_29, %dma_wait3A_30] : memref<32x32x128xi32, #tpu.memory_space<hbm>> -> memref<1x32x128xi32, #tpu.memory_space<hbm>>
      %dma_wait3A_32 = tpu.memref_squeeze %dma_wait3A_31 : memref<1x32x128xi32, #tpu.memory_space<hbm>> -> memref<32x128xi32, #tpu.memory_space<hbm>>
      %dma_wait3A_33 = arith.constant 0 : i32
      %dma_wait3A_34 = arith.constant 0 : i32
      %dma_wait3A_35 = tpu.memref_slice %arg3[%add3A, %dma_wait3A_33, %dma_wait3A_34] : memref<32x32x128xi32, #tpu.memory_space<hbm>> -> memref<1x32x128xi32, #tpu.memory_space<hbm>>
      %dma_wait3A_36 = tpu.memref_squeeze %dma_wait3A_35 : memref<1x32x128xi32, #tpu.memory_space<hbm>> -> memref<32x128xi32, #tpu.memory_space<hbm>>
      tpu.wait_dma2 semaphore(%run_scoped3A : memref<!tpu.dma_semaphore, #tpu.memory_space<semaphore_mem>>) src(%dma_wait3A_36 : memref<32x128xi32, #tpu.memory_space<hbm>>) dst(%arg5 : memref<32x128xi32, #tpu.memory_space<vmem>>)
      tpu.yield
    }) : () -> ()
    %dma_start3A = arith.constant 0 : i32
    %dma_start3A_3 = arith.constant 0 : i32
    %dma_start3A_4 = tpu.memref_slice %arg5[%dma_start3A, %dma_start3A_3] : memref<32x128xi32, #tpu.memory_space<vmem>> -> memref<1x128xi32, #tpu.memory_space<vmem>>
    %dma_start3A_5 = tpu.memref_squeeze %dma_start3A_4 : memref<1x128xi32, #tpu.memory_space<vmem>> -> memref<128xi32, #tpu.memory_space<vmem>>
    %dma_start3A_6 = arith.constant 0 : i32
    %dma_start3A_7 = arith.constant 0 : i32
    %dma_start3A_8 = tpu.memref_slice %arg2[%dma_start3A_6, %dma_start3A_7] : memref<100000x128xf32, #tpu.memory_space<hbm>> -> memref<100000x128xf32, #tpu.memory_space<hbm>>
    tpu.enqueue_indirect_dma source(%dma_start3A_8 : memref<100000x128xf32, #tpu.memory_space<hbm>>) target(%arg6 : memref<128x128xf32, #tpu.memory_space<vmem>>) offsets(%dma_start3A_5 : memref<128xi32, #tpu.memory_space<vmem>>) semaphore(%arg8 : memref<!tpu.dma_semaphore, #tpu.memory_space<semaphore_mem>>)
    %scan3A = arith.constant 0 : i32
    %scan3A_9 = arith.constant 0 : i32
    %scan3A_10 = arith.constant 16 : i32
    %scan3A_11 = arith.addi %scan3A_9, %scan3A_10 : i32
    %scan3A_12 = arith.constant 1 : i32
    scf.for %scan3A_21 = %scan3A_9 to %scan3A_11 step %scan3A_12  : i32 {
      %mul3A_22 = arith.constant 2 : i32
      %mul3A_23 = arith.muli %mul3A_22, %scan3A_21 : i32
      %add3A_24 = arith.constant 0 : i32
      %add3A_25 = arith.addi %mul3A_23, %add3A_24 : i32
      %add3A_26 = arith.constant 1 : i32
      %add3A_27 = arith.addi %add3A_25, %add3A_26 : i32
      %lt3A = arith.constant 32 : i32
      %lt3A_28 = arith.cmpi slt, %add3A_27, %lt3A : i32
      %convert_element_type3A = arith.extui %lt3A_28 : i1 to i32
      %cond3A = arith.constant 0 : i32
      %cond3A_29 = arith.cmpi ne, %convert_element_type3A, %cond3A : i32
      scf.if %cond3A_29 {
        %ge3A = arith.constant 1 : i32
        %ge3A_67 = arith.cmpi sge, %add3A_25, %ge3A : i32
        %convert_element_type3A_68 = arith.extui %ge3A_67 : i1 to i32
        %cond3A_69 = arith.constant 0 : i32
        %cond3A_70 = arith.cmpi ne, %convert_element_type3A_68, %cond3A_69 : i32
        scf.if %cond3A_70 {
          %dma_wait3A_79 = arith.constant 0 : i32
          %dma_wait3A_80 = tpu.memref_slice %arg4[%mul3A_2, %dma_wait3A_79] : memref<131072x128xf32, #tpu.memory_space<hbm>> -> memref<128x128xf32, #tpu.memory_space<hbm>>
          %dma_wait3A_81 = arith.constant 0 : i32
          %dma_wait3A_82 = tpu.memref_slice %arg4[%mul3A_2, %dma_wait3A_81] : memref<131072x128xf32, #tpu.memory_space<hbm>> -> memref<128x128xf32, #tpu.memory_space<hbm>>
          tpu.wait_dma2 semaphore(%arg11 : memref<!tpu.dma_semaphore, #tpu.memory_space<semaphore_mem>>) src(%arg7 : memref<128x128xf32, #tpu.memory_space<vmem>>) dst(%dma_wait3A_82 : memref<128x128xf32, #tpu.memory_space<hbm>>)
        } else {
        }
        %add3A_71 = arith.constant 1 : i32
        %add3A_72 = arith.addi %add3A_25, %add3A_71 : i32
        %dma_start3A_73 = arith.constant 0 : i32
        %dma_start3A_74 = tpu.memref_slice %arg5[%add3A_72, %dma_start3A_73] : memref<32x128xi32, #tpu.memory_space<vmem>> -> memref<1x128xi32, #tpu.memory_space<vmem>>
        %dma_start3A_75 = tpu.memref_squeeze %dma_start3A_74 : memref<1x128xi32, #tpu.memory_space<vmem>> -> memref<128xi32, #tpu.memory_space<vmem>>
        %dma_start3A_76 = arith.constant 0 : i32
        %dma_start3A_77 = arith.constant 0 : i32
        %dma_start3A_78 = tpu.memref_slice %arg2[%dma_start3A_76, %dma_start3A_77] : memref<100000x128xf32, #tpu.memory_space<hbm>> -> memref<100000x128xf32, #tpu.memory_space<hbm>>
        tpu.enqueue_indirect_dma source(%dma_start3A_78 : memref<100000x128xf32, #tpu.memory_space<hbm>>) target(%arg7 : memref<128x128xf32, #tpu.memory_space<vmem>>) offsets(%dma_start3A_75 : memref<128xi32, #tpu.memory_space<vmem>>) semaphore(%arg9 : memref<!tpu.dma_semaphore, #tpu.memory_space<semaphore_mem>>)
      } else {
      }
      %dma_wait3A_30 = arith.constant 0 : i32
      %dma_wait3A_31 = tpu.memref_slice %arg5[%add3A_25, %dma_wait3A_30] : memref<32x128xi32, #tpu.memory_space<vmem>> -> memref<1x128xi32, #tpu.memory_space<vmem>>
      %dma_wait3A_32 = tpu.memref_squeeze %dma_wait3A_31 : memref<1x128xi32, #tpu.memory_space<vmem>> -> memref<128xi32, #tpu.memory_space<vmem>>
      %dma_wait3A_33 = arith.constant 0 : i32
      %dma_wait3A_34 = arith.constant 0 : i32
      %dma_wait3A_35 = tpu.memref_slice %arg2[%dma_wait3A_33, %dma_wait3A_34] : memref<100000x128xf32, #tpu.memory_space<hbm>> -> memref<100000x128xf32, #tpu.memory_space<hbm>>
      tpu.wait_indirect_dma semaphore(%arg8 : memref<!tpu.dma_semaphore, #tpu.memory_space<semaphore_mem>>) src(%dma_wait3A_35 : memref<100000x128xf32, #tpu.memory_space<hbm>>) dst(%arg6 : memref<128x128xf32, #tpu.memory_space<vmem>>)
      %mul3A_36 = arith.constant 128 : i32
      %mul3A_37 = arith.muli %add3A_25, %mul3A_36 : i32
      %add3A_38 = arith.addi %mul3A_2, %mul3A_37 : i32
      %dma_start3A_39 = arith.constant 0 : i32
      %dma_start3A_40 = tpu.memref_slice %arg4[%add3A_38, %dma_start3A_39] : memref<131072x128xf32, #tpu.memory_space<hbm>> -> memref<128x128xf32, #tpu.memory_space<hbm>>
      %dma_start3A_41 = arith.constant 0 : i32
      %dma_start3A_42 = tpu.memref_slice %arg4[%add3A_38, %dma_start3A_41] : memref<131072x128xf32, #tpu.memory_space<hbm>> -> memref<128x128xf32, #tpu.memory_space<hbm>>
      tpu.enqueue_dma source(%arg6 : memref<128x128xf32, #tpu.memory_space<vmem>>) target(%dma_start3A_42 : memref<128x128xf32, #tpu.memory_space<hbm>>) target_semaphore(%arg10 : memref<!tpu.dma_semaphore, #tpu.memory_space<semaphore_mem>>)
      %mul3A_43 = arith.constant 2 : i32
      %mul3A_44 = arith.muli %mul3A_43, %scan3A_21 : i32
      %add3A_45 = arith.constant 1 : i32
      %add3A_46 = arith.addi %mul3A_44, %add3A_45 : i32
      %add3A_47 = arith.constant 1 : i32
      %add3A_48 = arith.addi %add3A_46, %add3A_47 : i32
      %lt3A_49 = arith.constant 32 : i32
      %lt3A_50 = arith.cmpi slt, %add3A_48, %lt3A_49 : i32
      %convert_element_type3A_51 = arith.extui %lt3A_50 : i1 to i32
      %cond3A_52 = arith.constant 0 : i32
      %cond3A_53 = arith.cmpi ne, %convert_element_type3A_51, %cond3A_52 : i32
      scf.if %cond3A_53 {
        %ge3A = arith.constant 1 : i32
        %ge3A_67 = arith.cmpi sge, %add3A_46, %ge3A : i32
        %convert_element_type3A_68 = arith.extui %ge3A_67 : i1 to i32
        %cond3A_69 = arith.constant 0 : i32
        %cond3A_70 = arith.cmpi ne, %convert_element_type3A_68, %cond3A_69 : i32
        scf.if %cond3A_70 {
          %dma_wait3A_79 = arith.constant 0 : i32
          %dma_wait3A_80 = tpu.memref_slice %arg4[%mul3A_2, %dma_wait3A_79] : memref<131072x128xf32, #tpu.memory_space<hbm>> -> memref<128x128xf32, #tpu.memory_space<hbm>>
          %dma_wait3A_81 = arith.constant 0 : i32
          %dma_wait3A_82 = tpu.memref_slice %arg4[%mul3A_2, %dma_wait3A_81] : memref<131072x128xf32, #tpu.memory_space<hbm>> -> memref<128x128xf32, #tpu.memory_space<hbm>>
          tpu.wait_dma2 semaphore(%arg10 : memref<!tpu.dma_semaphore, #tpu.memory_space<semaphore_mem>>) src(%arg6 : memref<128x128xf32, #tpu.memory_space<vmem>>) dst(%dma_wait3A_82 : memref<128x128xf32, #tpu.memory_space<hbm>>)
        } else {
        }
        %add3A_71 = arith.constant 1 : i32
        %add3A_72 = arith.addi %add3A_46, %add3A_71 : i32
        %dma_start3A_73 = arith.constant 0 : i32
        %dma_start3A_74 = tpu.memref_slice %arg5[%add3A_72, %dma_start3A_73] : memref<32x128xi32, #tpu.memory_space<vmem>> -> memref<1x128xi32, #tpu.memory_space<vmem>>
        %dma_start3A_75 = tpu.memref_squeeze %dma_start3A_74 : memref<1x128xi32, #tpu.memory_space<vmem>> -> memref<128xi32, #tpu.memory_space<vmem>>
        %dma_start3A_76 = arith.constant 0 : i32
        %dma_start3A_77 = arith.constant 0 : i32
        %dma_start3A_78 = tpu.memref_slice %arg2[%dma_start3A_76, %dma_start3A_77] : memref<100000x128xf32, #tpu.memory_space<hbm>> -> memref<100000x128xf32, #tpu.memory_space<hbm>>
        tpu.enqueue_indirect_dma source(%dma_start3A_78 : memref<100000x128xf32, #tpu.memory_space<hbm>>) target(%arg6 : memref<128x128xf32, #tpu.memory_space<vmem>>) offsets(%dma_start3A_75 : memref<128xi32, #tpu.memory_space<vmem>>) semaphore(%arg8 : memref<!tpu.dma_semaphore, #tpu.memory_space<semaphore_mem>>)
      } else {
      }
      %dma_wait3A_54 = arith.constant 0 : i32
      %dma_wait3A_55 = tpu.memref_slice %arg5[%add3A_46, %dma_wait3A_54] : memref<32x128xi32, #tpu.memory_space<vmem>> -> memref<1x128xi32, #tpu.memory_space<vmem>>
      %dma_wait3A_56 = tpu.memref_squeeze %dma_wait3A_55 : memref<1x128xi32, #tpu.memory_space<vmem>> -> memref<128xi32, #tpu.memory_space<vmem>>
      %dma_wait3A_57 = arith.constant 0 : i32
      %dma_wait3A_58 = arith.constant 0 : i32
      %dma_wait3A_59 = tpu.memref_slice %arg2[%dma_wait3A_57, %dma_wait3A_58] : memref<100000x128xf32, #tpu.memory_space<hbm>> -> memref<100000x128xf32, #tpu.memory_space<hbm>>
      tpu.wait_indirect_dma semaphore(%arg9 : memref<!tpu.dma_semaphore, #tpu.memory_space<semaphore_mem>>) src(%dma_wait3A_59 : memref<100000x128xf32, #tpu.memory_space<hbm>>) dst(%arg7 : memref<128x128xf32, #tpu.memory_space<vmem>>)
      %mul3A_60 = arith.constant 128 : i32
      %mul3A_61 = arith.muli %add3A_46, %mul3A_60 : i32
      %add3A_62 = arith.addi %mul3A_2, %mul3A_61 : i32
      %dma_start3A_63 = arith.constant 0 : i32
      %dma_start3A_64 = tpu.memref_slice %arg4[%add3A_62, %dma_start3A_63] : memref<131072x128xf32, #tpu.memory_space<hbm>> -> memref<128x128xf32, #tpu.memory_space<hbm>>
      %dma_start3A_65 = arith.constant 0 : i32
      %dma_start3A_66 = tpu.memref_slice %arg4[%add3A_62, %dma_start3A_65] : memref<131072x128xf32, #tpu.memory_space<hbm>> -> memref<128x128xf32, #tpu.memory_space<hbm>>
      tpu.enqueue_dma source(%arg7 : memref<128x128xf32, #tpu.memory_space<vmem>>) target(%dma_start3A_66 : memref<128x128xf32, #tpu.memory_space<hbm>>) target_semaphore(%arg11 : memref<!tpu.dma_semaphore, #tpu.memory_space<semaphore_mem>>)
    }
    %scan3A_13 = arith.constant 16 : i32
    %dma_wait3A = arith.constant 0 : i32
    %dma_wait3A_14 = tpu.memref_slice %arg4[%mul3A_2, %dma_wait3A] : memref<131072x128xf32, #tpu.memory_space<hbm>> -> memref<128x128xf32, #tpu.memory_space<hbm>>
    %dma_wait3A_15 = arith.constant 0 : i32
    %dma_wait3A_16 = tpu.memref_slice %arg4[%mul3A_2, %dma_wait3A_15] : memref<131072x128xf32, #tpu.memory_space<hbm>> -> memref<128x128xf32, #tpu.memory_space<hbm>>
    tpu.wait_dma2 semaphore(%arg10 : memref<!tpu.dma_semaphore, #tpu.memory_space<semaphore_mem>>) src(%arg6 : memref<128x128xf32, #tpu.memory_space<vmem>>) dst(%dma_wait3A_16 : memref<128x128xf32, #tpu.memory_space<hbm>>)
    %dma_wait3A_17 = arith.constant 0 : i32
    %dma_wait3A_18 = tpu.memref_slice %arg4[%mul3A_2, %dma_wait3A_17] : memref<131072x128xf32, #tpu.memory_space<hbm>> -> memref<128x128xf32, #tpu.memory_space<hbm>>
    %dma_wait3A_19 = arith.constant 0 : i32
    %dma_wait3A_20 = tpu.memref_slice %arg4[%mul3A_2, %dma_wait3A_19] : memref<131072x128xf32, #tpu.memory_space<hbm>> -> memref<128x128xf32, #tpu.memory_space<hbm>>
    tpu.wait_dma2 semaphore(%arg11 : memref<!tpu.dma_semaphore, #tpu.memory_space<semaphore_mem>>) src(%arg7 : memref<128x128xf32, #tpu.memory_space<vmem>>) dst(%dma_wait3A_20 : memref<128x128xf32, #tpu.memory_space<hbm>>)
    return
  }
}

module attributes {stable_mosaic.version = 14 : i64} {
  func.func @_ln_first(%arg0: i32, %arg1: memref<8x1024x128xf32, #tpu.memory_space<vmem>>, %arg2: memref<8x128xf32, #tpu.memory_space<vmem>>, %arg3: memref<8x1024xf32, #tpu.memory_space<vmem>>, %arg4: memref<128xf32, #tpu.memory_space<vmem>>, %arg5: memref<128xf32, #tpu.memory_space<vmem>>, %arg6: memref<128xf32, #tpu.memory_space<vmem>>, %arg7: memref<8x1024x128xf32, #tpu.memory_space<vmem>>) attributes {dimension_semantics = [#tpu.dimension_semantics<arbitrary>], iteration_bounds = array<i64: 16>, scalar_prefetch = 0 : i64, scratch_operands = 0 : i64, tpu.core_type = #tpu.core_type<tc>, window_params = [{transform_indices = @transform_0, window_bounds = array<i64: 8, 1024, 128>}, {transform_indices = @transform_1, window_bounds = array<i64: 8, 128>}, {transform_indices = @transform_2, window_bounds = array<i64: 8, 1024>}, {pipeline_mode = #tpu.pipeline_mode<synchronous>, transform_indices = @transform_3, window_bounds = array<i64: 128>}, {pipeline_mode = #tpu.pipeline_mode<synchronous>, transform_indices = @transform_4, window_bounds = array<i64: 128>}, {pipeline_mode = #tpu.pipeline_mode<synchronous>, transform_indices = @transform_5, window_bounds = array<i64: 128>}, {transform_indices = @transform_6, window_bounds = array<i64: 8, 1024, 128>}]} {
    %get3A = arith.constant 0 : index
    %get3A_0 = arith.constant 0 : index
    %get3A_1 = arith.constant 0 : index
    %get3A_2 = vector.load %arg1[%get3A, %get3A_0, %get3A_1] : memref<8x1024x128xf32, #tpu.memory_space<vmem>>, vector<8x1024x128xf32>
    %get3A_3 = arith.constant 0 : index
    %get3A_4 = arith.constant 0 : index
    %get3A_5 = vector.load %arg2[%get3A_3, %get3A_4] : memref<8x128xf32, #tpu.memory_space<vmem>>, vector<8x128xf32>
    %broadcast_in_dim3A = vector.shape_cast %get3A_5 : vector<8x128xf32> to vector<8x1x128xf32>
    %add3A = vector.broadcast %broadcast_in_dim3A : vector<8x1x128xf32> to vector<8x1024x128xf32>
    %add3A_6 = arith.addf %get3A_2, %add3A : vector<8x1024x128xf32>
    %get3A_7 = arith.constant 0 : index
    %get3A_8 = arith.constant 0 : index
    %get3A_9 = vector.load %arg3[%get3A_7, %get3A_8] : memref<8x1024xf32, #tpu.memory_space<vmem>>, vector<8x1024xf32>
    %broadcast_in_dim3A_10 = vector.shape_cast %get3A_9 : vector<8x1024xf32> to vector<8x1024x1xf32>
    %get3A_11 = arith.constant 0 : index
    %get3A_12 = vector.load %arg4[%get3A_11] : memref<128xf32, #tpu.memory_space<vmem>>, vector<128xf32>
    %broadcast_in_dim3A_13 = vector.shape_cast %get3A_12 : vector<128xf32> to vector<1x1x128xf32>
    %mul3A = vector.broadcast %broadcast_in_dim3A_10 : vector<8x1024x1xf32> to vector<8x1024x128xf32>
    %mul3A_14 = vector.broadcast %broadcast_in_dim3A_13 : vector<1x1x128xf32> to vector<8x1024x128xf32>
    %mul3A_15 = arith.mulf %mul3A, %mul3A_14 : vector<8x1024x128xf32>
    %add3A_16 = arith.addf %add3A_6, %mul3A_15 : vector<8x1024x128xf32>
    %reduce_sum3A = arith.constant dense<0.000000e+00> : vector<8x1024xf32>
    %reduce_sum3A_17 = vector.multi_reduction <add>, %add3A_16, %reduce_sum3A [2] : vector<8x1024x128xf32> to vector<8x1024xf32>
    %broadcast_in_dim3A_18 = vector.shape_cast %reduce_sum3A_17 : vector<8x1024xf32> to vector<8x1024x1xf32>
    %div3A = arith.constant 1.280000e+02 : f32
    %div3A_19 = vector.broadcast %div3A : f32 to vector<8x1024x1xf32>
    %div3A_20 = arith.divf %broadcast_in_dim3A_18, %div3A_19 : vector<8x1024x1xf32>
    %mul3A_21 = arith.mulf %add3A_16, %add3A_16 : vector<8x1024x128xf32>
    %reduce_sum3A_22 = arith.constant dense<0.000000e+00> : vector<8x1024xf32>
    %reduce_sum3A_23 = vector.multi_reduction <add>, %mul3A_21, %reduce_sum3A_22 [2] : vector<8x1024x128xf32> to vector<8x1024xf32>
    %broadcast_in_dim3A_24 = vector.shape_cast %reduce_sum3A_23 : vector<8x1024xf32> to vector<8x1024x1xf32>
    %div3A_25 = arith.constant 1.280000e+02 : f32
    %div3A_26 = vector.broadcast %div3A_25 : f32 to vector<8x1024x1xf32>
    %div3A_27 = arith.divf %broadcast_in_dim3A_24, %div3A_26 : vector<8x1024x1xf32>
    %mul3A_28 = arith.mulf %div3A_20, %div3A_20 : vector<8x1024x1xf32>
    %sub3A = arith.subf %div3A_27, %mul3A_28 : vector<8x1024x1xf32>
    %add3A_29 = arith.constant 9.99999974E-6 : f32
    %add3A_30 = vector.broadcast %add3A_29 : f32 to vector<8x1024x1xf32>
    %add3A_31 = arith.addf %sub3A, %add3A_30 : vector<8x1024x1xf32>
    %rsqrt3A = math.rsqrt %add3A_31 : vector<8x1024x1xf32>
    %get3A_32 = arith.constant 0 : index
    %get3A_33 = vector.load %arg5[%get3A_32] : memref<128xf32, #tpu.memory_space<vmem>>, vector<128xf32>
    %broadcast_in_dim3A_34 = vector.shape_cast %get3A_33 : vector<128xf32> to vector<1x1x128xf32>
    %mul3A_35 = vector.broadcast %rsqrt3A : vector<8x1024x1xf32> to vector<8x1024x128xf32>
    %mul3A_36 = vector.broadcast %broadcast_in_dim3A_34 : vector<1x1x128xf32> to vector<8x1024x128xf32>
    %mul3A_37 = arith.mulf %mul3A_35, %mul3A_36 : vector<8x1024x128xf32>
    %mul3A_38 = arith.mulf %add3A_16, %mul3A_37 : vector<8x1024x128xf32>
    %get3A_39 = arith.constant 0 : index
    %get3A_40 = vector.load %arg6[%get3A_39] : memref<128xf32, #tpu.memory_space<vmem>>, vector<128xf32>
    %mul3A_41 = vector.broadcast %div3A_20 : vector<8x1024x1xf32> to vector<8x1024x128xf32>
    %mul3A_42 = arith.mulf %mul3A_41, %mul3A_37 : vector<8x1024x128xf32>
    %broadcast_in_dim3A_43 = vector.shape_cast %get3A_40 : vector<128xf32> to vector<1x1x128xf32>
    %sub3A_44 = vector.broadcast %broadcast_in_dim3A_43 : vector<1x1x128xf32> to vector<8x1024x128xf32>
    %sub3A_45 = arith.subf %sub3A_44, %mul3A_42 : vector<8x1024x128xf32>
    %add3A_46 = arith.addf %mul3A_38, %sub3A_45 : vector<8x1024x128xf32>
    %swap3A = arith.constant 0 : index
    %swap3A_47 = arith.constant 0 : index
    %swap3A_48 = arith.constant 0 : index
    %swap3A_49 = vector.load %arg7[%swap3A, %swap3A_47, %swap3A_48] : memref<8x1024x128xf32, #tpu.memory_space<vmem>>, vector<8x1024x128xf32>
    tpu.vector_store %arg7[%swap3A, %swap3A_47, %swap3A_48], %add3A_46 {strides = array<i32>} : memref<8x1024x128xf32, #tpu.memory_space<vmem>>, vector<8x1024x128xf32>,
    return
  }
  func.func @transform_0(%arg0: i32) -> (i32, i32, i32) {
    %c0_i32 = arith.constant 0 : i32
    %c0_i32_0 = arith.constant 0 : i32
    %c0_i32_1 = arith.constant 0 : i32
    return %arg0, %c0_i32, %c0_i32_0 : i32, i32, i32
  }
  func.func @transform_1(%arg0: i32) -> (i32, i32) {
    %c0_i32 = arith.constant 0 : i32
    %c0_i32_0 = arith.constant 0 : i32
    return %arg0, %c0_i32 : i32, i32
  }
  func.func @transform_2(%arg0: i32) -> (i32, i32) {
    %c0_i32 = arith.constant 0 : i32
    %c0_i32_0 = arith.constant 0 : i32
    return %arg0, %c0_i32 : i32, i32
  }
  func.func @transform_3(%arg0: i32) -> i32 {
    %c0_i32 = arith.constant 0 : i32
    %c0_i32_0 = arith.constant 0 : i32
    return %c0_i32 : i32
  }
  func.func @transform_4(%arg0: i32) -> i32 {
    %c0_i32 = arith.constant 0 : i32
    %c0_i32_0 = arith.constant 0 : i32
    return %c0_i32 : i32
  }
  func.func @transform_5(%arg0: i32) -> i32 {
    %c0_i32 = arith.constant 0 : i32
    %c0_i32_0 = arith.constant 0 : i32
    return %c0_i32 : i32
  }
  func.func @transform_6(%arg0: i32) -> (i32, i32, i32) {
    %add3A = arith.constant 0 : i32
    %add3A_0 = arith.addi %arg0, %add3A : i32
    %c0_i32 = arith.constant 0 : i32
    %c0_i32_1 = arith.constant 0 : i32
    %c0_i32_2 = arith.constant 0 : i32
    return %add3A_0, %c0_i32, %c0_i32_1 : i32, i32, i32
  }
}

module attributes {stable_mosaic.version = 14 : i64} {
  func.func @_ln_next(%arg0: i32, %arg1: memref<8x1024x128xf32, #tpu.memory_space<vmem>>, %arg2: memref<8x128xf32, #tpu.memory_space<vmem>>, %arg3: memref<8x1024xf32, #tpu.memory_space<vmem>>, %arg4: memref<128xf32, #tpu.memory_space<vmem>>, %arg5: memref<128xf32, #tpu.memory_space<vmem>>, %arg6: memref<128xf32, #tpu.memory_space<vmem>>, %arg7: memref<512x1024x128xf32, #tpu.memory_space<any>>, %arg8: memref<8x1024x128xf32, #tpu.memory_space<vmem>>) attributes {dimension_semantics = [#tpu.dimension_semantics<arbitrary>], iteration_bounds = array<i64: 16>, scalar_prefetch = 0 : i64, scratch_operands = 0 : i64, tpu.core_type = #tpu.core_type<tc>, window_params = [{transform_indices = @transform_0, window_bounds = array<i64: 8, 1024, 128>}, {transform_indices = @transform_1, window_bounds = array<i64: 8, 128>}, {transform_indices = @transform_2, window_bounds = array<i64: 8, 1024>}, {pipeline_mode = #tpu.pipeline_mode<synchronous>, transform_indices = @transform_3, window_bounds = array<i64: 128>}, {pipeline_mode = #tpu.pipeline_mode<synchronous>, transform_indices = @transform_4, window_bounds = array<i64: 128>}, {pipeline_mode = #tpu.pipeline_mode<synchronous>, transform_indices = @transform_5, window_bounds = array<i64: 128>}, {}, {transform_indices = @transform_7, window_bounds = array<i64: 8, 1024, 128>}]} {
    %get3A = arith.constant 0 : index
    %get3A_0 = arith.constant 0 : index
    %get3A_1 = arith.constant 0 : index
    %get3A_2 = vector.load %arg1[%get3A, %get3A_0, %get3A_1] : memref<8x1024x128xf32, #tpu.memory_space<vmem>>, vector<8x1024x128xf32>
    %get3A_3 = arith.constant 0 : index
    %get3A_4 = arith.constant 0 : index
    %get3A_5 = vector.load %arg2[%get3A_3, %get3A_4] : memref<8x128xf32, #tpu.memory_space<vmem>>, vector<8x128xf32>
    %broadcast_in_dim3A = vector.shape_cast %get3A_5 : vector<8x128xf32> to vector<8x1x128xf32>
    %add3A = vector.broadcast %broadcast_in_dim3A : vector<8x1x128xf32> to vector<8x1024x128xf32>
    %add3A_6 = arith.addf %get3A_2, %add3A : vector<8x1024x128xf32>
    %get3A_7 = arith.constant 0 : index
    %get3A_8 = arith.constant 0 : index
    %get3A_9 = vector.load %arg3[%get3A_7, %get3A_8] : memref<8x1024xf32, #tpu.memory_space<vmem>>, vector<8x1024xf32>
    %broadcast_in_dim3A_10 = vector.shape_cast %get3A_9 : vector<8x1024xf32> to vector<8x1024x1xf32>
    %get3A_11 = arith.constant 0 : index
    %get3A_12 = vector.load %arg4[%get3A_11] : memref<128xf32, #tpu.memory_space<vmem>>, vector<128xf32>
    %broadcast_in_dim3A_13 = vector.shape_cast %get3A_12 : vector<128xf32> to vector<1x1x128xf32>
    %mul3A = vector.broadcast %broadcast_in_dim3A_10 : vector<8x1024x1xf32> to vector<8x1024x128xf32>
    %mul3A_14 = vector.broadcast %broadcast_in_dim3A_13 : vector<1x1x128xf32> to vector<8x1024x128xf32>
    %mul3A_15 = arith.mulf %mul3A, %mul3A_14 : vector<8x1024x128xf32>
    %add3A_16 = arith.addf %add3A_6, %mul3A_15 : vector<8x1024x128xf32>
    %reduce_sum3A = arith.constant dense<0.000000e+00> : vector<8x1024xf32>
    %reduce_sum3A_17 = vector.multi_reduction <add>, %add3A_16, %reduce_sum3A [2] : vector<8x1024x128xf32> to vector<8x1024xf32>
    %broadcast_in_dim3A_18 = vector.shape_cast %reduce_sum3A_17 : vector<8x1024xf32> to vector<8x1024x1xf32>
    %div3A = arith.constant 1.280000e+02 : f32
    %div3A_19 = vector.broadcast %div3A : f32 to vector<8x1024x1xf32>
    %div3A_20 = arith.divf %broadcast_in_dim3A_18, %div3A_19 : vector<8x1024x1xf32>
    %mul3A_21 = arith.mulf %add3A_16, %add3A_16 : vector<8x1024x128xf32>
    %reduce_sum3A_22 = arith.constant dense<0.000000e+00> : vector<8x1024xf32>
    %reduce_sum3A_23 = vector.multi_reduction <add>, %mul3A_21, %reduce_sum3A_22 [2] : vector<8x1024x128xf32> to vector<8x1024xf32>
    %broadcast_in_dim3A_24 = vector.shape_cast %reduce_sum3A_23 : vector<8x1024xf32> to vector<8x1024x1xf32>
    %div3A_25 = arith.constant 1.280000e+02 : f32
    %div3A_26 = vector.broadcast %div3A_25 : f32 to vector<8x1024x1xf32>
    %div3A_27 = arith.divf %broadcast_in_dim3A_24, %div3A_26 : vector<8x1024x1xf32>
    %mul3A_28 = arith.mulf %div3A_20, %div3A_20 : vector<8x1024x1xf32>
    %sub3A = arith.subf %div3A_27, %mul3A_28 : vector<8x1024x1xf32>
    %add3A_29 = arith.constant 9.99999974E-6 : f32
    %add3A_30 = vector.broadcast %add3A_29 : f32 to vector<8x1024x1xf32>
    %add3A_31 = arith.addf %sub3A, %add3A_30 : vector<8x1024x1xf32>
    %rsqrt3A = math.rsqrt %add3A_31 : vector<8x1024x1xf32>
    %get3A_32 = arith.constant 0 : index
    %get3A_33 = vector.load %arg5[%get3A_32] : memref<128xf32, #tpu.memory_space<vmem>>, vector<128xf32>
    %broadcast_in_dim3A_34 = vector.shape_cast %get3A_33 : vector<128xf32> to vector<1x1x128xf32>
    %mul3A_35 = vector.broadcast %rsqrt3A : vector<8x1024x1xf32> to vector<8x1024x128xf32>
    %mul3A_36 = vector.broadcast %broadcast_in_dim3A_34 : vector<1x1x128xf32> to vector<8x1024x128xf32>
    %mul3A_37 = arith.mulf %mul3A_35, %mul3A_36 : vector<8x1024x128xf32>
    %mul3A_38 = arith.mulf %add3A_16, %mul3A_37 : vector<8x1024x128xf32>
    %get3A_39 = arith.constant 0 : index
    %get3A_40 = vector.load %arg6[%get3A_39] : memref<128xf32, #tpu.memory_space<vmem>>, vector<128xf32>
    %mul3A_41 = vector.broadcast %div3A_20 : vector<8x1024x1xf32> to vector<8x1024x128xf32>
    %mul3A_42 = arith.mulf %mul3A_41, %mul3A_37 : vector<8x1024x128xf32>
    %broadcast_in_dim3A_43 = vector.shape_cast %get3A_40 : vector<128xf32> to vector<1x1x128xf32>
    %sub3A_44 = vector.broadcast %broadcast_in_dim3A_43 : vector<1x1x128xf32> to vector<8x1024x128xf32>
    %sub3A_45 = arith.subf %sub3A_44, %mul3A_42 : vector<8x1024x128xf32>
    %add3A_46 = arith.addf %mul3A_38, %sub3A_45 : vector<8x1024x128xf32>
    %swap3A = arith.constant 0 : index
    %swap3A_47 = arith.constant 0 : index
    %swap3A_48 = arith.constant 0 : index
    %swap3A_49 = vector.load %arg8[%swap3A, %swap3A_47, %swap3A_48] : memref<8x1024x128xf32, #tpu.memory_space<vmem>>, vector<8x1024x128xf32>
    tpu.vector_store %arg8[%swap3A, %swap3A_47, %swap3A_48], %add3A_46 {strides = array<i32>} : memref<8x1024x128xf32, #tpu.memory_space<vmem>>, vector<8x1024x128xf32>,
    return
  }
  func.func @transform_0(%arg0: i32) -> (i32, i32, i32) {
    %c0_i32 = arith.constant 0 : i32
    %c0_i32_0 = arith.constant 0 : i32
    %c0_i32_1 = arith.constant 0 : i32
    return %arg0, %c0_i32, %c0_i32_0 : i32, i32, i32
  }
  func.func @transform_1(%arg0: i32) -> (i32, i32) {
    %c0_i32 = arith.constant 0 : i32
    %c0_i32_0 = arith.constant 0 : i32
    return %arg0, %c0_i32 : i32, i32
  }
  func.func @transform_2(%arg0: i32) -> (i32, i32) {
    %c0_i32 = arith.constant 0 : i32
    %c0_i32_0 = arith.constant 0 : i32
    return %arg0, %c0_i32 : i32, i32
  }
  func.func @transform_3(%arg0: i32) -> i32 {
    %c0_i32 = arith.constant 0 : i32
    %c0_i32_0 = arith.constant 0 : i32
    return %c0_i32 : i32
  }
  func.func @transform_4(%arg0: i32) -> i32 {
    %c0_i32 = arith.constant 0 : i32
    %c0_i32_0 = arith.constant 0 : i32
    return %c0_i32 : i32
  }
  func.func @transform_5(%arg0: i32) -> i32 {
    %c0_i32 = arith.constant 0 : i32
    %c0_i32_0 = arith.constant 0 : i32
    return %c0_i32 : i32
  }
  func.func @transform_7(%arg0: i32) -> (i32, i32, i32) {
    %add3A = arith.constant 32 : i32
    %add3A_0 = arith.addi %arg0, %add3A : i32
    %c0_i32 = arith.constant 0 : i32
    %c0_i32_1 = arith.constant 0 : i32
    %c0_i32_2 = arith.constant 0 : i32
    return %add3A_0, %c0_i32, %c0_i32_1 : i32, i32, i32
  }
}

module attributes {stable_mosaic.version = 14 : i64} {
  func.func @_ln_next(%arg0: i32, %arg1: memref<8x1024x128xf32, #tpu.memory_space<vmem>>, %arg2: memref<8x128xf32, #tpu.memory_space<vmem>>, %arg3: memref<8x1024xf32, #tpu.memory_space<vmem>>, %arg4: memref<128xf32, #tpu.memory_space<vmem>>, %arg5: memref<128xf32, #tpu.memory_space<vmem>>, %arg6: memref<128xf32, #tpu.memory_space<vmem>>, %arg7: memref<512x1024x128xf32, #tpu.memory_space<any>>, %arg8: memref<8x1024x128xf32, #tpu.memory_space<vmem>>) attributes {dimension_semantics = [#tpu.dimension_semantics<arbitrary>], iteration_bounds = array<i64: 16>, scalar_prefetch = 0 : i64, scratch_operands = 0 : i64, tpu.core_type = #tpu.core_type<tc>, window_params = [{transform_indices = @transform_0, window_bounds = array<i64: 8, 1024, 128>}, {transform_indices = @transform_1, window_bounds = array<i64: 8, 128>}, {transform_indices = @transform_2, window_bounds = array<i64: 8, 1024>}, {pipeline_mode = #tpu.pipeline_mode<synchronous>, transform_indices = @transform_3, window_bounds = array<i64: 128>}, {pipeline_mode = #tpu.pipeline_mode<synchronous>, transform_indices = @transform_4, window_bounds = array<i64: 128>}, {pipeline_mode = #tpu.pipeline_mode<synchronous>, transform_indices = @transform_5, window_bounds = array<i64: 128>}, {}, {transform_indices = @transform_7, window_bounds = array<i64: 8, 1024, 128>}]} {
    %get3A = arith.constant 0 : index
    %get3A_0 = arith.constant 0 : index
    %get3A_1 = arith.constant 0 : index
    %get3A_2 = vector.load %arg1[%get3A, %get3A_0, %get3A_1] : memref<8x1024x128xf32, #tpu.memory_space<vmem>>, vector<8x1024x128xf32>
    %get3A_3 = arith.constant 0 : index
    %get3A_4 = arith.constant 0 : index
    %get3A_5 = vector.load %arg2[%get3A_3, %get3A_4] : memref<8x128xf32, #tpu.memory_space<vmem>>, vector<8x128xf32>
    %broadcast_in_dim3A = vector.shape_cast %get3A_5 : vector<8x128xf32> to vector<8x1x128xf32>
    %add3A = vector.broadcast %broadcast_in_dim3A : vector<8x1x128xf32> to vector<8x1024x128xf32>
    %add3A_6 = arith.addf %get3A_2, %add3A : vector<8x1024x128xf32>
    %get3A_7 = arith.constant 0 : index
    %get3A_8 = arith.constant 0 : index
    %get3A_9 = vector.load %arg3[%get3A_7, %get3A_8] : memref<8x1024xf32, #tpu.memory_space<vmem>>, vector<8x1024xf32>
    %broadcast_in_dim3A_10 = vector.shape_cast %get3A_9 : vector<8x1024xf32> to vector<8x1024x1xf32>
    %get3A_11 = arith.constant 0 : index
    %get3A_12 = vector.load %arg4[%get3A_11] : memref<128xf32, #tpu.memory_space<vmem>>, vector<128xf32>
    %broadcast_in_dim3A_13 = vector.shape_cast %get3A_12 : vector<128xf32> to vector<1x1x128xf32>
    %mul3A = vector.broadcast %broadcast_in_dim3A_10 : vector<8x1024x1xf32> to vector<8x1024x128xf32>
    %mul3A_14 = vector.broadcast %broadcast_in_dim3A_13 : vector<1x1x128xf32> to vector<8x1024x128xf32>
    %mul3A_15 = arith.mulf %mul3A, %mul3A_14 : vector<8x1024x128xf32>
    %add3A_16 = arith.addf %add3A_6, %mul3A_15 : vector<8x1024x128xf32>
    %reduce_sum3A = arith.constant dense<0.000000e+00> : vector<8x1024xf32>
    %reduce_sum3A_17 = vector.multi_reduction <add>, %add3A_16, %reduce_sum3A [2] : vector<8x1024x128xf32> to vector<8x1024xf32>
    %broadcast_in_dim3A_18 = vector.shape_cast %reduce_sum3A_17 : vector<8x1024xf32> to vector<8x1024x1xf32>
    %div3A = arith.constant 1.280000e+02 : f32
    %div3A_19 = vector.broadcast %div3A : f32 to vector<8x1024x1xf32>
    %div3A_20 = arith.divf %broadcast_in_dim3A_18, %div3A_19 : vector<8x1024x1xf32>
    %mul3A_21 = arith.mulf %add3A_16, %add3A_16 : vector<8x1024x128xf32>
    %reduce_sum3A_22 = arith.constant dense<0.000000e+00> : vector<8x1024xf32>
    %reduce_sum3A_23 = vector.multi_reduction <add>, %mul3A_21, %reduce_sum3A_22 [2] : vector<8x1024x128xf32> to vector<8x1024xf32>
    %broadcast_in_dim3A_24 = vector.shape_cast %reduce_sum3A_23 : vector<8x1024xf32> to vector<8x1024x1xf32>
    %div3A_25 = arith.constant 1.280000e+02 : f32
    %div3A_26 = vector.broadcast %div3A_25 : f32 to vector<8x1024x1xf32>
    %div3A_27 = arith.divf %broadcast_in_dim3A_24, %div3A_26 : vector<8x1024x1xf32>
    %mul3A_28 = arith.mulf %div3A_20, %div3A_20 : vector<8x1024x1xf32>
    %sub3A = arith.subf %div3A_27, %mul3A_28 : vector<8x1024x1xf32>
    %add3A_29 = arith.constant 9.99999974E-6 : f32
    %add3A_30 = vector.broadcast %add3A_29 : f32 to vector<8x1024x1xf32>
    %add3A_31 = arith.addf %sub3A, %add3A_30 : vector<8x1024x1xf32>
    %rsqrt3A = math.rsqrt %add3A_31 : vector<8x1024x1xf32>
    %get3A_32 = arith.constant 0 : index
    %get3A_33 = vector.load %arg5[%get3A_32] : memref<128xf32, #tpu.memory_space<vmem>>, vector<128xf32>
    %broadcast_in_dim3A_34 = vector.shape_cast %get3A_33 : vector<128xf32> to vector<1x1x128xf32>
    %mul3A_35 = vector.broadcast %rsqrt3A : vector<8x1024x1xf32> to vector<8x1024x128xf32>
    %mul3A_36 = vector.broadcast %broadcast_in_dim3A_34 : vector<1x1x128xf32> to vector<8x1024x128xf32>
    %mul3A_37 = arith.mulf %mul3A_35, %mul3A_36 : vector<8x1024x128xf32>
    %mul3A_38 = arith.mulf %add3A_16, %mul3A_37 : vector<8x1024x128xf32>
    %get3A_39 = arith.constant 0 : index
    %get3A_40 = vector.load %arg6[%get3A_39] : memref<128xf32, #tpu.memory_space<vmem>>, vector<128xf32>
    %mul3A_41 = vector.broadcast %div3A_20 : vector<8x1024x1xf32> to vector<8x1024x128xf32>
    %mul3A_42 = arith.mulf %mul3A_41, %mul3A_37 : vector<8x1024x128xf32>
    %broadcast_in_dim3A_43 = vector.shape_cast %get3A_40 : vector<128xf32> to vector<1x1x128xf32>
    %sub3A_44 = vector.broadcast %broadcast_in_dim3A_43 : vector<1x1x128xf32> to vector<8x1024x128xf32>
    %sub3A_45 = arith.subf %sub3A_44, %mul3A_42 : vector<8x1024x128xf32>
    %add3A_46 = arith.addf %mul3A_38, %sub3A_45 : vector<8x1024x128xf32>
    %swap3A = arith.constant 0 : index
    %swap3A_47 = arith.constant 0 : index
    %swap3A_48 = arith.constant 0 : index
    %swap3A_49 = vector.load %arg8[%swap3A, %swap3A_47, %swap3A_48] : memref<8x1024x128xf32, #tpu.memory_space<vmem>>, vector<8x1024x128xf32>
    tpu.vector_store %arg8[%swap3A, %swap3A_47, %swap3A_48], %add3A_46 {strides = array<i32>} : memref<8x1024x128xf32, #tpu.memory_space<vmem>>, vector<8x1024x128xf32>,
    return
  }
  func.func @transform_0(%arg0: i32) -> (i32, i32, i32) {
    %c0_i32 = arith.constant 0 : i32
    %c0_i32_0 = arith.constant 0 : i32
    %c0_i32_1 = arith.constant 0 : i32
    return %arg0, %c0_i32, %c0_i32_0 : i32, i32, i32
  }
  func.func @transform_1(%arg0: i32) -> (i32, i32) {
    %c0_i32 = arith.constant 0 : i32
    %c0_i32_0 = arith.constant 0 : i32
    return %arg0, %c0_i32 : i32, i32
  }
  func.func @transform_2(%arg0: i32) -> (i32, i32) {
    %c0_i32 = arith.constant 0 : i32
    %c0_i32_0 = arith.constant 0 : i32
    return %arg0, %c0_i32 : i32, i32
  }
  func.func @transform_3(%arg0: i32) -> i32 {
    %c0_i32 = arith.constant 0 : i32
    %c0_i32_0 = arith.constant 0 : i32
    return %c0_i32 : i32
  }
  func.func @transform_4(%arg0: i32) -> i32 {
    %c0_i32 = arith.constant 0 : i32
    %c0_i32_0 = arith.constant 0 : i32
    return %c0_i32 : i32
  }
  func.func @transform_5(%arg0: i32) -> i32 {
    %c0_i32 = arith.constant 0 : i32
    %c0_i32_0 = arith.constant 0 : i32
    return %c0_i32 : i32
  }
  func.func @transform_7(%arg0: i32) -> (i32, i32, i32) {
    %add3A = arith.constant 16 : i32
    %add3A_0 = arith.addi %arg0, %add3A : i32
    %c0_i32 = arith.constant 0 : i32
    %c0_i32_1 = arith.constant 0 : i32
    %c0_i32_2 = arith.constant 0 : i32
    return %add3A_0, %c0_i32, %c0_i32_1 : i32, i32, i32
  }
}

module attributes {stable_mosaic.version = 14 : i64} {
  func.func @_ln_next(%arg0: i32, %arg1: memref<8x1024x128xf32, #tpu.memory_space<vmem>>, %arg2: memref<8x128xf32, #tpu.memory_space<vmem>>, %arg3: memref<8x1024xf32, #tpu.memory_space<vmem>>, %arg4: memref<128xf32, #tpu.memory_space<vmem>>, %arg5: memref<128xf32, #tpu.memory_space<vmem>>, %arg6: memref<128xf32, #tpu.memory_space<vmem>>, %arg7: memref<512x1024x128xf32, #tpu.memory_space<any>>, %arg8: memref<8x1024x128xf32, #tpu.memory_space<vmem>>) attributes {dimension_semantics = [#tpu.dimension_semantics<arbitrary>], iteration_bounds = array<i64: 16>, scalar_prefetch = 0 : i64, scratch_operands = 0 : i64, tpu.core_type = #tpu.core_type<tc>, window_params = [{transform_indices = @transform_0, window_bounds = array<i64: 8, 1024, 128>}, {transform_indices = @transform_1, window_bounds = array<i64: 8, 128>}, {transform_indices = @transform_2, window_bounds = array<i64: 8, 1024>}, {pipeline_mode = #tpu.pipeline_mode<synchronous>, transform_indices = @transform_3, window_bounds = array<i64: 128>}, {pipeline_mode = #tpu.pipeline_mode<synchronous>, transform_indices = @transform_4, window_bounds = array<i64: 128>}, {pipeline_mode = #tpu.pipeline_mode<synchronous>, transform_indices = @transform_5, window_bounds = array<i64: 128>}, {}, {transform_indices = @transform_7, window_bounds = array<i64: 8, 1024, 128>}]} {
    %get3A = arith.constant 0 : index
    %get3A_0 = arith.constant 0 : index
    %get3A_1 = arith.constant 0 : index
    %get3A_2 = vector.load %arg1[%get3A, %get3A_0, %get3A_1] : memref<8x1024x128xf32, #tpu.memory_space<vmem>>, vector<8x1024x128xf32>
    %get3A_3 = arith.constant 0 : index
    %get3A_4 = arith.constant 0 : index
    %get3A_5 = vector.load %arg2[%get3A_3, %get3A_4] : memref<8x128xf32, #tpu.memory_space<vmem>>, vector<8x128xf32>
    %broadcast_in_dim3A = vector.shape_cast %get3A_5 : vector<8x128xf32> to vector<8x1x128xf32>
    %add3A = vector.broadcast %broadcast_in_dim3A : vector<8x1x128xf32> to vector<8x1024x128xf32>
    %add3A_6 = arith.addf %get3A_2, %add3A : vector<8x1024x128xf32>
    %get3A_7 = arith.constant 0 : index
    %get3A_8 = arith.constant 0 : index
    %get3A_9 = vector.load %arg3[%get3A_7, %get3A_8] : memref<8x1024xf32, #tpu.memory_space<vmem>>, vector<8x1024xf32>
    %broadcast_in_dim3A_10 = vector.shape_cast %get3A_9 : vector<8x1024xf32> to vector<8x1024x1xf32>
    %get3A_11 = arith.constant 0 : index
    %get3A_12 = vector.load %arg4[%get3A_11] : memref<128xf32, #tpu.memory_space<vmem>>, vector<128xf32>
    %broadcast_in_dim3A_13 = vector.shape_cast %get3A_12 : vector<128xf32> to vector<1x1x128xf32>
    %mul3A = vector.broadcast %broadcast_in_dim3A_10 : vector<8x1024x1xf32> to vector<8x1024x128xf32>
    %mul3A_14 = vector.broadcast %broadcast_in_dim3A_13 : vector<1x1x128xf32> to vector<8x1024x128xf32>
    %mul3A_15 = arith.mulf %mul3A, %mul3A_14 : vector<8x1024x128xf32>
    %add3A_16 = arith.addf %add3A_6, %mul3A_15 : vector<8x1024x128xf32>
    %reduce_sum3A = arith.constant dense<0.000000e+00> : vector<8x1024xf32>
    %reduce_sum3A_17 = vector.multi_reduction <add>, %add3A_16, %reduce_sum3A [2] : vector<8x1024x128xf32> to vector<8x1024xf32>
    %broadcast_in_dim3A_18 = vector.shape_cast %reduce_sum3A_17 : vector<8x1024xf32> to vector<8x1024x1xf32>
    %div3A = arith.constant 1.280000e+02 : f32
    %div3A_19 = vector.broadcast %div3A : f32 to vector<8x1024x1xf32>
    %div3A_20 = arith.divf %broadcast_in_dim3A_18, %div3A_19 : vector<8x1024x1xf32>
    %mul3A_21 = arith.mulf %add3A_16, %add3A_16 : vector<8x1024x128xf32>
    %reduce_sum3A_22 = arith.constant dense<0.000000e+00> : vector<8x1024xf32>
    %reduce_sum3A_23 = vector.multi_reduction <add>, %mul3A_21, %reduce_sum3A_22 [2] : vector<8x1024x128xf32> to vector<8x1024xf32>
    %broadcast_in_dim3A_24 = vector.shape_cast %reduce_sum3A_23 : vector<8x1024xf32> to vector<8x1024x1xf32>
    %div3A_25 = arith.constant 1.280000e+02 : f32
    %div3A_26 = vector.broadcast %div3A_25 : f32 to vector<8x1024x1xf32>
    %div3A_27 = arith.divf %broadcast_in_dim3A_24, %div3A_26 : vector<8x1024x1xf32>
    %mul3A_28 = arith.mulf %div3A_20, %div3A_20 : vector<8x1024x1xf32>
    %sub3A = arith.subf %div3A_27, %mul3A_28 : vector<8x1024x1xf32>
    %add3A_29 = arith.constant 9.99999974E-6 : f32
    %add3A_30 = vector.broadcast %add3A_29 : f32 to vector<8x1024x1xf32>
    %add3A_31 = arith.addf %sub3A, %add3A_30 : vector<8x1024x1xf32>
    %rsqrt3A = math.rsqrt %add3A_31 : vector<8x1024x1xf32>
    %get3A_32 = arith.constant 0 : index
    %get3A_33 = vector.load %arg5[%get3A_32] : memref<128xf32, #tpu.memory_space<vmem>>, vector<128xf32>
    %broadcast_in_dim3A_34 = vector.shape_cast %get3A_33 : vector<128xf32> to vector<1x1x128xf32>
    %mul3A_35 = vector.broadcast %rsqrt3A : vector<8x1024x1xf32> to vector<8x1024x128xf32>
    %mul3A_36 = vector.broadcast %broadcast_in_dim3A_34 : vector<1x1x128xf32> to vector<8x1024x128xf32>
    %mul3A_37 = arith.mulf %mul3A_35, %mul3A_36 : vector<8x1024x128xf32>
    %mul3A_38 = arith.mulf %add3A_16, %mul3A_37 : vector<8x1024x128xf32>
    %get3A_39 = arith.constant 0 : index
    %get3A_40 = vector.load %arg6[%get3A_39] : memref<128xf32, #tpu.memory_space<vmem>>, vector<128xf32>
    %mul3A_41 = vector.broadcast %div3A_20 : vector<8x1024x1xf32> to vector<8x1024x128xf32>
    %mul3A_42 = arith.mulf %mul3A_41, %mul3A_37 : vector<8x1024x128xf32>
    %broadcast_in_dim3A_43 = vector.shape_cast %get3A_40 : vector<128xf32> to vector<1x1x128xf32>
    %sub3A_44 = vector.broadcast %broadcast_in_dim3A_43 : vector<1x1x128xf32> to vector<8x1024x128xf32>
    %sub3A_45 = arith.subf %sub3A_44, %mul3A_42 : vector<8x1024x128xf32>
    %add3A_46 = arith.addf %mul3A_38, %sub3A_45 : vector<8x1024x128xf32>
    %swap3A = arith.constant 0 : index
    %swap3A_47 = arith.constant 0 : index
    %swap3A_48 = arith.constant 0 : index
    %swap3A_49 = vector.load %arg8[%swap3A, %swap3A_47, %swap3A_48] : memref<8x1024x128xf32, #tpu.memory_space<vmem>>, vector<8x1024x128xf32>
    tpu.vector_store %arg8[%swap3A, %swap3A_47, %swap3A_48], %add3A_46 {strides = array<i32>} : memref<8x1024x128xf32, #tpu.memory_space<vmem>>, vector<8x1024x128xf32>,
    return
  }
  func.func @transform_0(%arg0: i32) -> (i32, i32, i32) {
    %c0_i32 = arith.constant 0 : i32
    %c0_i32_0 = arith.constant 0 : i32
    %c0_i32_1 = arith.constant 0 : i32
    return %arg0, %c0_i32, %c0_i32_0 : i32, i32, i32
  }
  func.func @transform_1(%arg0: i32) -> (i32, i32) {
    %c0_i32 = arith.constant 0 : i32
    %c0_i32_0 = arith.constant 0 : i32
    return %arg0, %c0_i32 : i32, i32
  }
  func.func @transform_2(%arg0: i32) -> (i32, i32) {
    %c0_i32 = arith.constant 0 : i32
    %c0_i32_0 = arith.constant 0 : i32
    return %arg0, %c0_i32 : i32, i32
  }
  func.func @transform_3(%arg0: i32) -> i32 {
    %c0_i32 = arith.constant 0 : i32
    %c0_i32_0 = arith.constant 0 : i32
    return %c0_i32 : i32
  }
  func.func @transform_4(%arg0: i32) -> i32 {
    %c0_i32 = arith.constant 0 : i32
    %c0_i32_0 = arith.constant 0 : i32
    return %c0_i32 : i32
  }
  func.func @transform_5(%arg0: i32) -> i32 {
    %c0_i32 = arith.constant 0 : i32
    %c0_i32_0 = arith.constant 0 : i32
    return %c0_i32 : i32
  }
  func.func @transform_7(%arg0: i32) -> (i32, i32, i32) {
    %add3A = arith.constant 48 : i32
    %add3A_0 = arith.addi %arg0, %add3A : i32
    %c0_i32 = arith.constant 0 : i32
    %c0_i32_1 = arith.constant 0 : i32
    %c0_i32_2 = arith.constant 0 : i32
    return %add3A_0, %c0_i32, %c0_i32_1 : i32, i32, i32
  }
}

</mosaic_0001>

<sc_bundles>
// kernel: kernel.10.cloned.1.call-start
scs
__scs_entry_jumppad:
0x0: {  	(pc) =	sbr.rel $0x88, $3  }
0x1: {  	(tag) =	ssettag $0x0;
	lr =	simm.s32 $0x1  }
0x2: {  	[smem:$0x3F99] =	sst lr;
	_ =	strace $0xD0000000  }
0x3: {  	_ = 	snop  }
0x4: {  	_ = 	snop  }
0x5: {  	_ = 	snop  }
0x6: {  	_ = 	snop  }
0x7: {  	_ = 	snop  }
__scs_overlays_trampoline_lowered:
0x8: {  	[smem:$0x3FA8] =	sst s0  }
0x9: {  	[smem:$0x3FA9] =	sst s1  }
0xa: {  	[smem:$0x3FAA] =	sst s2  }
0xb: {  	[smem:$0x3FAB] =	sst s3  }
0xc: {  	[smem:$0x3FAC] =	sst s4  }
0xd: {  	[smem:$0x3FAD] =	sst s5  }
0xe: {  	[smem:$0x3FAE] =	sst s6  }
0xf: {  	[smem:$0x3FAF] =	sst s7  }
0x10: {  	[smem:$0x3FB0] =	sst s8  }
0x11: {  	[smem:$0x3FB1] =	sst s9;
	s0 =	simm.s32 @!p0 $0x0  }
0x12: {  	s1 =	sld [smem:$0x3F97];
	s0 =	simm.s32 @p0 $0x1  }
0x13: {  	[smem:$0x3FB2] =	sst s0;
	s0 =	simm.s32 @!p1 $0x0  }
0x14: {  	s2 =	sld [smem:$0x3F96];
	s0 =	simm.s32 @p1 $0x1  }
0x15: {  	[smem:$0x3FB3] =	sst s0;
	s0 =	simm.s32 @!p2 $0x0  }
0x16: {  	s3 =	sld [smem:$0x3FDB];
	s0 =	simm.s32 @p2 $0x1  }
0x17: {  	s4 =	simm.s32 $0x1BF5;
	[smem:$0x3FB5] =	sst s0  }
0x18: {  	s0 =	sld [smem:$0x3F98];
	_ =	swait.ge [sflag:s4], $0x0  }
0x19: {  	s7 =	sld [smem:$0x3F99]  }
0x1a: {  	s8 =	sadd.s32 $0xFFFFE003, lr  }
0x1b: {  	s9 =	sadd.s32 $0xFFFFFEF7, lr;
	s5 =	simm.s32 $0xFFFFFFFF;
	p2 =	slt.u32 s8, $0xFFFFF086  }
0x1c: {  	p1 =	slt.u32 s9, $0xF7A;
	s5 =	simm.s32 @!p2 $0x0  }
0x1d: {  	s5 =	simm.s32 @p1 $0x1;
	p0 =	seq.s32 s7, s2  }
0x1e: {  	s7 =	smul.u32 @!p0 $0xF7A, s2;
	p2 =	seq.s32 @!p0 s5, $0x0  }
0x1f: {  	s9 =	smul.u32 $0xF7A, s1;
	s8 =	simm.s32 @!p0 $0x1BF5;
	p2 =	por !p2, p0  }
0x20: {  	[sflag:s8] =	ssyncset.s32 @!p0 $0xFFFFF086;
	s6 =	sadd.s32 @!p0 s3, s7;
	s7 =	simm.s32 @!p0 $0x108  }
0x21: {  	s3 =	sadd.s32 s3, s9;
	s6 =	sadd.s32 @!p0 $0x88, s6;
	s7 =	simm.s32 @p2 $0x1082  }
0x22: {  	[simem:s7], [sflag:s8] =	dma.local @!p0 [hbm:s6], $0xF7A  }
0x23: {  	s9 =	sor.u32 $0xD0000000, s2;
	s6 =	simm.s32 $0x108;
	_ =	swait.ge @!p0 [sflag:s8], $0x0  }
0x24: {  	s3 =	sadd.s32 $0x88, s3;
	s6 =	simm.s32 @!p1 $0x1082;
	[sflag:s4] =	ssyncset.s32 $0xFFFFF086  }
0x25: {  	[simem:s6], [sflag:s4] =	dma.local [hbm:s3], $0xF7A  }
0x26: {  	[smem:$0x3F99] =	sst s1;
	(tag) =	ssettag s2;
	_ =	strace s9  }
0x27: {  	s1 =	sld [smem:$0x3FA9]  }
0x28: {  	s2 =	sld [smem:$0x3FAA]  }
0x29: {  	s4 =	sld [smem:$0x3FAC]  }
0x2a: {  	p0 =	seq.s32 s5, $0x0;
	s5 =	sld [smem:$0x3FAD]  }
0x2b: {  	s6 =	sld [smem:$0x3FAE]  }
0x2c: {  	s7 =	sld [smem:$0x3FAF]  }
0x2d: {  	s3 =	simm.s32 $0x108;
	s8 =	sld [smem:$0x3FB0]  }
0x2e: {  	s3 =	simm.s32 @!p0 $0x1082;
	s9 =	sld [smem:$0x3FB1]  }
0x2f: {  	lr =	sadd.s32 s0, s3;
	s0 =	sld [smem:$0x3FA8]  }
0x30: {  	s3 =	sld [smem:$0x3FAB]  }
0x31: {  	[smem:$0x3FB4] =	sst s10  }
0x32: {  	s10 =	sld [smem:$0x3FB2];
	_ =	sdelay $0x3  }
0x33: {  	p0 =	seq.s32 s10, $0x1;
	s10 =	sld [smem:$0x3FB4];
	_ =	sdelay $0x3  }
0x34: {  	[smem:$0x3FB4] =	sst s10  }
0x35: {  	s10 =	sld [smem:$0x3FB3];
	_ =	sdelay $0x3  }
0x36: {  	p1 =	seq.s32 s10, $0x1;
	s10 =	sld [smem:$0x3FB4];
	_ =	sdelay $0x3  }
0x37: {  	[smem:$0x3FB4] =	sst s10  }
0x38: {  	s10 =	sld [smem:$0x3FB5]  }
0x39: {  	_ = 	snop;
	(pc) =	sbr.ind lr, $3  }
0x3a: {  	_ = 	snop  }
0x3b: {  	_ = 	snop  }
0x3c: {  	p2 =	seq.s32 s10, $0x1;
	s10 =	sld [smem:$0x3FB4]  }
0x3d: {  	_ =	shalt  }
0x3e: {  	_ =	shalt  }
0x3f: {  	_ =	shalt  }
0x40: {  	_ =	shalt  }
0x41: {  	_ =	shalt  }
0x42: {  	_ =	shalt  }
0x43: {  	_ =	shalt  }
0x44: {  	_ =	shalt  }
0x45: {  	_ =	shalt  }
0x46: {  	_ =	shalt  }
0x47: {  	_ =	shalt  }
0x48: {  	_ =	shalt  }
0x49: {  	_ =	shalt  }
0x4a: {  	_ =	shalt  }
0x4b: {  	_ =	shalt  }
0x4c: {  	_ =	shalt  }
0x4d: {  	_ =	shalt  }
0x4e: {  	_ =	shalt  }
0x4f: {  	_ =	shalt  }
0x50: {  	_ =	shalt  }
0x51: {  	_ =	shalt  }
0x52: {  	_ =	shalt  }
0x53: {  	_ =	shalt  }
0x54: {  	_ =	shalt  }
0x55: {  	_ =	shalt  }
0x56: {  	_ =	shalt  }
0x57: {  	_ =	shalt  }
0x58: {  	_ =	shalt  }
0x59: {  	_ =	shalt  }
0x5a: {  	_ =	shalt  }
0x5b: {  	_ =	shalt  }
0x5c: {  	_ =	shalt  }
0x5d: {  	_ =	shalt  }
0x5e: {  	_ =	shalt  }
0x5f: {  	_ =	shalt  }
0x60: {  	_ =	shalt  }
0x61: {  	_ =	shalt  }
0x62: {  	_ =	shalt  }
0x63: {  	_ =	shalt  }
0x64: {  	_ =	shalt  }
0x65: {  	_ =	shalt  }
0x66: {  	_ =	shalt  }
0x67: {  	_ =	shalt  }
0x68: {  	_ =	shalt  }
0x69: {  	_ =	shalt  }
0x6a: {  	_ =	shalt  }
0x6b: {  	_ =	shalt  }
0x6c: {  	_ =	shalt  }
0x6d: {  	_ =	shalt  }
0x6e: {  	_ =	shalt  }
0x6f: {  	_ =	shalt  }
0x70: {  	_ =	shalt  }
0x71: {  	_ =	shalt  }
0x72: {  	_ =	shalt  }
0x73: {  	_ =	shalt  }
0x74: {  	_ =	shalt  }
0x75: {  	_ =	shalt  }
0x76: {  	_ =	shalt  }
0x77: {  	_ =	shalt  }
0x78: {  	_ =	shalt  }
0x79: {  	_ =	shalt  }
0x7a: {  	_ =	shalt  }
0x7b: {  	_ =	shalt  }
0x7c: {  	_ =	shalt  }
0x7d: {  	_ =	shalt  }
0x7e: {  	_ =	shalt  }
0x7f: {  	_ =	shalt  }
0x80: {  	_ =	shalt  }
0x81: {  	_ =	shalt  }
0x82: {  	_ =	shalt  }
0x83: {  	_ =	shalt  }
0x84: {  	_ =	shalt  }
0x85: {  	_ =	shalt  }
0x86: {  	_ =	shalt  }
0x87: {  	_ =	shalt  }
.Lfunc_end0:
.L_simem_size_0:
called_computation_lowered:
.L_overlay_start_0:
0x88: {  	s2 =	sld [smem:$0x3FD9]  }
0x89: {  	s3 =	sld [smem:$0x3FFE];
	_ =	sdelay $0x1  }
0x8a: {  	s1 =	srdreg.scid  }
0x8b: {  	s0 =	sand.u32 $0x1, s1  }
0x8c: {  	s17 =	sshll.u32 s0, $0xA;
	s2 =	sadd.s32 s3, s2  }
0x8d: {  	s2 =	sadd.s32 s2, s17  }
0x8e: {  	[smem:$0x3FC0] =	sst s2  }
0x8f: {  	_ = 	snop  }
0x90: {  	s2 =	sld [smem:$0x3FC6];
	(tm) =	ssettm $0x1  }
0x91: {  	s18 =	sld [smem:$0x3FFB];
	_ =	sdelay $0x3  }
0x92: {  	_ =	strace s18  }
0x93: {  	s3 =	sld [smem:$0x3FFC];
	_ =	sdelay $0x3  }
0x94: {  	_ =	strace s3  }
0x95: {  	s3 =	sld [smem:$0x3FFD];
	_ =	sdelay $0x3  }
0x96: {  	_ =	strace s3  }
0x97: {  	_ =	strace $0x8FFFFFFF  }
0x98: {  	s19 =	sld [smem:$0x3FDB];
	_ =	sdelay $0x1  }
0x99: {  	s4 =	simm.s32 $_scs_section_size  }
0x9a: {  	s5 =	simm.s32 $_size__tile_overlayer_lowered;
	s6 =	simm.s32 $_tile_overlayer_lowered  }
0x9b: {  	s22 =	simm.s32 $0x1BFF;
	s21 =	sshll.u32 s6, $0x1;
	s3 =	sadd.s32 s4, s19  }
0x9c: {  	s7 =	simm.s32 $0x0;
	s20 =	sshll.u32 s5, $0x1;
	s5 =	sadd.s32 s21, s3  }
0x9d: {  	[timem:s7], [sflag:s22] =	dma.local [hbm:s5], s20  }
0x9e: {  	_ =	swait.ge [sflag:s22], s20  }
0x9f: {  	s4 =	ssub.s32 $0x0, s20;
	[sflag:s22] =	ssyncset.done $0x0  }
0xa0: {  	[sflag:s22] =	ssyncadd.s32 s4;
	_ =	sdelay $0x1  }
0xa1: {  	s23 =	simm.s32 $0x1B8B  }
0xa2: {  	_ =	swait.ge [sflag:s23], $0x1  }
0xa3: {  	[sflag:s23] =	ssyncset.done $0x0  }
0xa4: {  	s25 =	simm.s32 $0x1B8E;
	s24 =	sld [smem:$0x3FFE];
	[sflag:s23] =	ssyncadd.s32 $0xFFFFFFFF  }
0xa5: {  	s26 =	simm.s32 $execute0_lowered;
	[smem:$0x3FD2] =	sst s25  }
0xa6: {  	s5 =	sshll.u32 s26, $0x1;
	_ =	strace $0x80000046;
	[dreg:$0x1] =	wrdreg $0xFFFFFFFF  }
0xa7: {  	s28 =	simm.s32 $_size_execute0_lowered;
	s3 =	sadd.s32 s3, s5;
	[dreg:$0x0] =	wrdreg $0x0  }
0xa8: {  	s5 =	sshll.u32 s28, $0x1;
	[dreg:$0x2] =	wrdreg s3  }
0xa9: {  	[dreg:$0x3] =	wrdreg s5  }
0xaa: {  	[dreg:$0x4] =	wrdreg $0xC0  }
0xab: {  	_ =	task [dreg:s7], $0x5FFFF  }
0xac: {  	[dreg:$0x1] =	wrdreg $0xFFFFFFFF  }
0xad: {  	[dreg:$0x0] =	wrdreg $0x60  }
0xae: {  	[dreg:$0x2] =	wrdreg s2  }
0xaf: {  	[dreg:$0x3] =	wrdreg s24  }
0xb0: {  	[dreg:$0x4] =	wrdreg $0x9  }
0xb1: {  	_ =	task.clear_ibuf [dreg:s7], $0x5FFFF;
	_ =	strace $0x90000046  }
0xb2: {  	s29 =	simm.s32 $0x9;
	_ =	strace $0x80000048  }
0xb3: {  	_ =	swait.ge [sflag:s29], $0x1  }
0xb4: {  	[sflag:s29] =	ssyncadd.s32 $0xFFFFFFFF  }
0xb5: {  	_ =	strace $0x90000048  }
0xb6: {  	_ =	sfence  }
0xb7: {  	s30 =	sld [smem:$0x0];
	_ =	sdelay $0x2  }
0xb8: {  	s31 =	sshll.u32 s1, $0xD;
	s1 =	sshrl.u32 s1, $0x2  }
0xb9: {  	s3 =	sand.u32 $0x4000, s31;
	s1 =	sadd.s32 s1, s30  }
0xba: {  	s0 =	sor.u32 s3, s0;
	s1 =	sshll.u32 s1, $0x11  }
0xbb: {  	s0 =	sor.u32 s1, s0  }
0xbc: {  	s0 =	sadd.s32 $0x8F2B, s0  }
0xbd: {  	[sflag:s0] =	ssyncadd.remote.s32 $0x1  }
0xbe: {  	_ =	sfence.sel $0xFFFF  }
0xbf: {  	[dreg:$0x0] =	wrdreg $0xFFFFFFFF;
	(pc) =	sbr.abs _section_cstart, $3  }
0xc0: {  	[dreg:$0x1] =	wrdreg $0xFFFFFFFF  }
0xc1: {  	_ =	task.clear_ibuf [dreg:s7], $0x2FFFF;
	_ =	strace $0x9FFFFFFF  }
0xc2: {  	(tm) =	ssettm $0x7FFFFFFF  }
0xc3: {  	_ =	shalt  }
tec
execute0_lowered:
.L_overlay_start_1:
0x0: {  	(tag) =	ssettag $0x1  }
0x1: {  	s2 =	rddreg [dreg:$0x0]  }
0x2: {  	s4 =	rddreg [dreg:$0x1];
	s3 =	srdreg.scid  }
0x3: {  	s0 =	rddreg [dreg:$0x2];
	s1 =	stileid.u32  }
0x4: {  	s12 =	simm.s32 $0x80;
	s13 =	simm.s32 $0x1000;
	s14 =	simm.s32 $0x5000  }
0x5: {  	s15 =	simm.s32 $0x1;
	s16 =	simm.s32 $0x3;
	s17 =	simm.s32 $0x100  }
0x6: {  	s18 =	simm.s32 $0x2;
	s19 =	simm.s32 $0x4;
	s20 =	simm.s32 $0xF80  }
0x7: {  	s21 =	simm.s32 $0x0;
	s8 =	sand.u32 $0x1, s3;
	s3 =	simm.s32 $0x0  }
0x8: {  	s5 =	sshll.u32 s1, $0xD;
	s9 =	sadd.s32 $0xAE00, s4;
	s10 =	sshll.u32 s1, $0x11  }
0x9: {  	s6 =	sshll.u32 s8, $0xC;
	[smem:$0x7FF] =	sst s3;
	s7 =	ssub.s32 $0x2, s8  }
0xa: {  	s10 =	sadd.s32 s10, s9;
	s11 =	sshll.u32 s8, $0x10;
	s5 =	sor.u32 s6, s5  }
0xb: {  	_ =	strace $0x80000047;
	s31 =	sshrl.u32 s7, $0x1;
	s10 =	sadd.s32 s11, s10  }
0xc: {  	s11 =	simm.s32 $0x5;
	s6 =	sshrl.u32 s5, $0x3;
	s7 =	ssub.s32 s7, s31  }
0xd: {  	s5 =	sshll.u32 s5, $0x4;
	s10 =	sadd.s32 $0x1000, s10;
	s6 =	sadd.s32 s6, s4  }
0xe: {  	s5 =	sadd.s32 s9, s5;
	s4 =	sadd.s32 $0x6E00, s6;
	s6 =	smax.u32 s7, $0x1  }
0xf: {  	s7 =	sadd.s32 $0x800, s5;
	s8 =	sadd.s32 $0xF000, s5;
	s9 =	sadd.s32 $0xF800, s5  }
.LBB2_1:
0x10: {  	[tilespmem:s3], [sflag:$0x5] =	stream.linear.gather [hbm4b:s4+s3], $0x1000, $0x38;
	[tilespmem:$0x9000] =	vst v63  }
0x11: {  	_ =	swait.ge [sflag:s11], $0x1000  }
0x12: {  	[sflag:s11] =	ssyncset.done $0x0  }
0x13: {  	[sflag:s11] =	ssyncadd.s32 $0xFFFFF000  }
0x14: {  	[tilespmem:s13], [sflag:$0x1] =	stream.indirect.gather [hbm4b:s2+s12], $0x80, s3, s12, $0xb8;
	[tilespmem:$0x9000] =	vst v63  }
0x15: {  	_ = 	snop  }
0x16: {  	[tilespmem:s14], [sflag:$0x2] =	stream.indirect.gather [hbm4b:s2+s12], $0x80, s12, s12, $0xb8;
	[tilespmem:$0x9000] =	vst v63  }
0x17: {  	_ =	swait.ge [sflag:s15], $0x4000  }
0x18: {  	[sflag:s15] =	ssyncset.done $0x0  }
0x19: {  	[sflag:s15] =	ssyncadd.s32 $0xFFFFC000  }
0x1a: {  	[hbm4b:s5+s3] =	stream.linear.scatter [tilespmem:s13], [sflag:$0x3], $0x4000, $0x38;
	[tilespmem:$0x9000] =	vst v63  }
0x1b: {  	_ =	swait.ge [sflag:s16], $0x4000  }
0x1c: {  	[sflag:s16] =	ssyncset.done $0x0  }
0x1d: {  	[sflag:s16] =	ssyncadd.s32 $0xFFFFC000  }
0x1e: {  	[tilespmem:s13], [sflag:$0x1] =	stream.indirect.gather [hbm4b:s2+s12], $0x80, s17, s12, $0xb8;
	[tilespmem:$0x9000] =	vst v63  }
0x1f: {  	_ =	swait.ge [sflag:s18], $0x4000  }
0x20: {  	[sflag:s18] =	ssyncset.done $0x0  }
0x21: {  	[sflag:s18] =	ssyncadd.s32 $0xFFFFC000  }
0x22: {  	[hbm4b:s7+s3] =	stream.linear.scatter [tilespmem:s14], [sflag:$0x4], $0x4000, $0x38;
	[tilespmem:$0x9000] =	vst v63  }
0x23: {  	_ =	swait.ge [sflag:s19], $0x4000  }
0x24: {  	[sflag:s19] =	ssyncset.done $0x0  }
0x25: {  	s22 =	simm.s32 $0x180;
	[sflag:s19] =	ssyncadd.s32 $0xFFFFC000  }
0x26: {  	[tilespmem:s14], [sflag:$0x2] =	stream.indirect.gather [hbm4b:s2+s12], $0x80, s22, s12, $0xb8;
	[tilespmem:$0x9000] =	vst v63  }
0x27: {  	_ =	swait.ge [sflag:s15], $0x4000  }
0x28: {  	[sflag:s15] =	ssyncset.done $0x0  }
0x29: {  	[sflag:s15] =	ssyncadd.s32 $0xFFFFC000  }
0x2a: {  	[hbm4b:s10+s3] =	stream.linear.scatter [tilespmem:s13], [sflag:$0x3], $0x4000, $0x38;
	[tilespmem:$0x9000] =	vst v63  }
0x2b: {  	_ =	swait.ge [sflag:s16], $0x4000  }
0x2c: {  	[sflag:s16] =	ssyncset.done $0x0  }
0x2d: {  	s31 =	simm.s32 $0x200;
	[sflag:s16] =	ssyncadd.s32 $0xFFFFC000  }
0x2e: {  	[tilespmem:s13], [sflag:$0x1] =	stream.indirect.gather [hbm4b:s2+s12], $0x80, s31, s12, $0xb8;
	[tilespmem:$0x9000] =	vst v63  }
0x2f: {  	_ =	swait.ge [sflag:s18], $0x4000  }
0x30: {  	s24 =	sadd.s32 $0x800, s10;
	[sflag:s18] =	ssyncset.done $0x0  }
0x31: {  	s23 =	sadd.s32 $0x1000, s10;
	s22 =	simm.s32 $0x400;
	[sflag:s18] =	ssyncadd.s32 $0xFFFFC000  }
.LBB2_2:
0x32: {  	[hbm4b:s24+s3] =	stream.linear.scatter [tilespmem:s14], [sflag:$0x4], $0x4000, $0x38;
	[tilespmem:$0x9000] =	vst v63  }
0x33: {  	s24 =	smov.u32 s22  }
0x34: {  	p0 =	sne.s32 s22, $0x3400;
	s22 =	sadd.s32 $0x400, s22;
	_ =	swait.ge [sflag:s19], $0x4000  }
0x35: {  	s24 =	sshra.s32 s24, $0x2;
	[sflag:s19] =	ssyncset.done $0x0  }
0x36: {  	s25 =	sadd.s32 $0x180, s24;
	[sflag:s19] =	ssyncadd.s32 $0xFFFFC000  }
0x37: {  	[tilespmem:s14], [sflag:$0x2] =	stream.indirect.gather [hbm4b:s2+s12], $0x80, s25, s12, $0xb8;
	[tilespmem:$0x9000] =	vst v63  }
0x38: {  	_ =	swait.ge [sflag:s15], $0x4000  }
0x39: {  	[sflag:s15] =	ssyncset.done $0x0  }
0x3a: {  	[sflag:s15] =	ssyncadd.s32 $0xFFFFC000  }
0x3b: {  	[hbm4b:s23+s3] =	stream.linear.scatter [tilespmem:s13], [sflag:$0x3], $0x4000, $0x38;
	[tilespmem:$0x9000] =	vst v63  }
0x3c: {  	_ =	swait.ge [sflag:s16], $0x4000  }
0x3d: {  	[sflag:s16] =	ssyncset.done $0x0  }
.Ltmp0:
0x3e: {  	s24 =	sadd.s32 $0x200, s24;
	[sflag:s16] =	ssyncadd.s32 $0xFFFFC000;
	(pc) =	sbr.rel @p0 .LBB2_2-.Ltmp0, $4  }
0x3f: {  	[tilespmem:s13], [sflag:$0x1] =	stream.indirect.gather [hbm4b:s2+s12], $0x80, s24, s12, $0xb8;
	[tilespmem:$0x9000] =	vst v63  }
0x40: {  	_ =	swait.ge [sflag:s18], $0x4000  }
0x41: {  	[sflag:s18] =	ssyncset.done $0x0  }
0x42: {  	s24 =	sadd.s32 $0x800, s23;
	s23 =	sadd.s32 $0x1000, s23;
	[sflag:s18] =	ssyncadd.s32 $0xFFFFC000  }
0x43: {  	[hbm4b:s24+s3] =	stream.linear.scatter [tilespmem:s14], [sflag:$0x4], $0x4000, $0x38;
	[tilespmem:$0x9000] =	vst v63  }
0x44: {  	_ =	swait.ge [sflag:s19], $0x4000  }
0x45: {  	[sflag:s19] =	ssyncset.done $0x0  }
0x46: {  	[sflag:s19] =	ssyncadd.s32 $0xFFFFC000  }
0x47: {  	[tilespmem:s14], [sflag:$0x2] =	stream.indirect.gather [hbm4b:s2+s12], $0x80, s20, s12, $0xb8;
	[tilespmem:$0x9000] =	vst v63  }
0x48: {  	_ =	swait.ge [sflag:s15], $0x4000  }
0x49: {  	[sflag:s15] =	ssyncset.done $0x0  }
0x4a: {  	[sflag:s15] =	ssyncadd.s32 $0xFFFFC000  }
0x4b: {  	[hbm4b:s8+s3] =	stream.linear.scatter [tilespmem:s13], [sflag:$0x3], $0x4000, $0x38;
	[tilespmem:$0x9000] =	vst v63  }
0x4c: {  	_ =	swait.ge [sflag:s18], $0x4000  }
0x4d: {  	[sflag:s18] =	ssyncset.done $0x0  }
0x4e: {  	s21 =	sadd.s32 $0x1, s21;
	[sflag:s18] =	ssyncadd.s32 $0xFFFFC000  }
0x4f: {  	[hbm4b:s9+s3] =	stream.linear.scatter [tilespmem:s14], [sflag:$0x4], $0x4000, $0x38;
	[tilespmem:$0x9000] =	vst v63  }
0x50: {  	p0 =	sne.s32 s21, s6;
	_ =	swait.ge [sflag:s16], $0x4000  }
.Ltmp1:
0x51: {  	[sflag:s16] =	ssyncset.done $0x0;
	(pc) =	sbr.rel @p0 .LBB2_1-.Ltmp1, $4  }
0x52: {  	[sflag:s16] =	ssyncadd.s32 $0xFFFFC000  }
0x53: {  	_ =	swait.ge [sflag:s19], $0x4000  }
0x54: {  	[sflag:s19] =	ssyncset.done $0x0  }
0x55: {  	[sflag:s19] =	ssyncadd.s32 $0xFFFFC000  }
0x56: {  	_ =	sfence.sel $0x180000  }
0x57: {  	[bflag:$0x0] =	sbarrier.arrive $0xFFFF  }
0x58: {  	p0 =	sne.s32 s1, $0x0;
	_ =	strace $0x90000047  }
0x59: {  	s0 =	sadd.s32 @!p0 $0x100000, s0;
	[bflag:$0x2] =	sbarrier.arrive $0xFFFF  }
0x5a: {  	[sflag:s0] =	ssyncadd.tile.s32 @!p0 $0x1;
	_ =	shalt  }
.Lfunc_end2:
_tile_overlayer_lowered:
.L_overlay_start_2:
0x5b: {  	(tag) =	ssettag $0x2  }
0x5c: {  	s0 =	rddreg [dreg:$0x0];
	s2 =	stileid.u32  }
0x5d: {  	s1 =	rddreg [dreg:$0x1];
	p0 =	sne.s32 s2, $0x0  }
0x5e: {  	s3 =	rddreg [dreg:$0x2];
	[bflag:$0x3] =	sbarrier.arrive $0xFFFF;
	s2 =	simm.s32 @!p0 $0x1C05  }
0x5f: {  	[timem:s3], [sflag:s2] =	dma.local @!p0 [hbm:s0], s1  }
0x60: {  	s0 =	simm.s32 @!p0 $0x5  }
0x61: {  	_ =	swait.ge @!p0 [sflag:s0], s1  }
0x62: {  	s1 =	ssub.s32 @!p0 $0x0, s1;
	[sflag:s0] =	ssyncset.done @!p0 $0x0  }
0x63: {  	[sflag:s0] =	ssyncadd.s32 @!p0 s1  }
0x64: {  	[bflag:$0x3] =	sbarrier.arrive $0xFFFF  }
0x65: {  	_ =	shalt  }

// kernel: kernel.13.cloned.1.call-start
scs
__scs_entry_jumppad:
0x0: {  	(pc) =	sbr.rel $0x88, $3  }
0x1: {  	(tag) =	ssettag $0x0;
	lr =	simm.s32 $0x1  }
0x2: {  	[smem:$0x3F99] =	sst lr;
	_ =	strace $0xD0000000  }
0x3: {  	_ = 	snop  }
0x4: {  	_ = 	snop  }
0x5: {  	_ = 	snop  }
0x6: {  	_ = 	snop  }
0x7: {  	_ = 	snop  }
__scs_overlays_trampoline_lowered:
0x8: {  	[smem:$0x3FA8] =	sst s0  }
0x9: {  	[smem:$0x3FA9] =	sst s1  }
0xa: {  	[smem:$0x3FAA] =	sst s2  }
0xb: {  	[smem:$0x3FAB] =	sst s3  }
0xc: {  	[smem:$0x3FAC] =	sst s4  }
0xd: {  	[smem:$0x3FAD] =	sst s5  }
0xe: {  	[smem:$0x3FAE] =	sst s6  }
0xf: {  	[smem:$0x3FAF] =	sst s7  }
0x10: {  	[smem:$0x3FB0] =	sst s8  }
0x11: {  	[smem:$0x3FB1] =	sst s9;
	s0 =	simm.s32 @!p0 $0x0  }
0x12: {  	s1 =	sld [smem:$0x3F97];
	s0 =	simm.s32 @p0 $0x1  }
0x13: {  	[smem:$0x3FB2] =	sst s0;
	s0 =	simm.s32 @!p1 $0x0  }
0x14: {  	s2 =	sld [smem:$0x3F96];
	s0 =	simm.s32 @p1 $0x1  }
0x15: {  	[smem:$0x3FB3] =	sst s0;
	s0 =	simm.s32 @!p2 $0x0  }
0x16: {  	s3 =	sld [smem:$0x3FDB];
	s0 =	simm.s32 @p2 $0x1  }
0x17: {  	s4 =	simm.s32 $0x1BF5;
	[smem:$0x3FB5] =	sst s0  }
0x18: {  	s0 =	sld [smem:$0x3F98];
	_ =	swait.ge [sflag:s4], $0x0  }
0x19: {  	s7 =	sld [smem:$0x3F99]  }
0x1a: {  	s8 =	sadd.s32 $0xFFFFE003, lr  }
0x1b: {  	s9 =	sadd.s32 $0xFFFFFEF7, lr;
	s5 =	simm.s32 $0xFFFFFFFF;
	p2 =	slt.u32 s8, $0xFFFFF086  }
0x1c: {  	p1 =	slt.u32 s9, $0xF7A;
	s5 =	simm.s32 @!p2 $0x0  }
0x1d: {  	s5 =	simm.s32 @p1 $0x1;
	p0 =	seq.s32 s7, s2  }
0x1e: {  	s7 =	smul.u32 @!p0 $0xF7A, s2;
	p2 =	seq.s32 @!p0 s5, $0x0  }
0x1f: {  	s9 =	smul.u32 $0xF7A, s1;
	s8 =	simm.s32 @!p0 $0x1BF5;
	p2 =	por !p2, p0  }
0x20: {  	[sflag:s8] =	ssyncset.s32 @!p0 $0xFFFFF086;
	s6 =	sadd.s32 @!p0 s3, s7;
	s7 =	simm.s32 @!p0 $0x108  }
0x21: {  	s3 =	sadd.s32 s3, s9;
	s6 =	sadd.s32 @!p0 $0x88, s6;
	s7 =	simm.s32 @p2 $0x1082  }
0x22: {  	[simem:s7], [sflag:s8] =	dma.local @!p0 [hbm:s6], $0xF7A  }
0x23: {  	s9 =	sor.u32 $0xD0000000, s2;
	s6 =	simm.s32 $0x108;
	_ =	swait.ge @!p0 [sflag:s8], $0x0  }
0x24: {  	s3 =	sadd.s32 $0x88, s3;
	s6 =	simm.s32 @!p1 $0x1082;
	[sflag:s4] =	ssyncset.s32 $0xFFFFF086  }
0x25: {  	[simem:s6], [sflag:s4] =	dma.local [hbm:s3], $0xF7A  }
0x26: {  	[smem:$0x3F99] =	sst s1;
	(tag) =	ssettag s2;
	_ =	strace s9  }
0x27: {  	s1 =	sld [smem:$0x3FA9]  }
0x28: {  	s2 =	sld [smem:$0x3FAA]  }
0x29: {  	s4 =	sld [smem:$0x3FAC]  }
0x2a: {  	p0 =	seq.s32 s5, $0x0;
	s5 =	sld [smem:$0x3FAD]  }
0x2b: {  	s6 =	sld [smem:$0x3FAE]  }
0x2c: {  	s7 =	sld [smem:$0x3FAF]  }
0x2d: {  	s3 =	simm.s32 $0x108;
	s8 =	sld [smem:$0x3FB0]  }
0x2e: {  	s3 =	simm.s32 @!p0 $0x1082;
	s9 =	sld [smem:$0x3FB1]  }
0x2f: {  	lr =	sadd.s32 s0, s3;
	s0 =	sld [smem:$0x3FA8]  }
0x30: {  	s3 =	sld [smem:$0x3FAB]  }
0x31: {  	[smem:$0x3FB4] =	sst s10  }
0x32: {  	s10 =	sld [smem:$0x3FB2];
	_ =	sdelay $0x3  }
0x33: {  	p0 =	seq.s32 s10, $0x1;
	s10 =	sld [smem:$0x3FB4];
	_ =	sdelay $0x3  }
0x34: {  	[smem:$0x3FB4] =	sst s10  }
0x35: {  	s10 =	sld [smem:$0x3FB3];
	_ =	sdelay $0x3  }
0x36: {  	p1 =	seq.s32 s10, $0x1;
	s10 =	sld [smem:$0x3FB4];
	_ =	sdelay $0x3  }
0x37: {  	[smem:$0x3FB4] =	sst s10  }
0x38: {  	s10 =	sld [smem:$0x3FB5]  }
0x39: {  	_ = 	snop;
	(pc) =	sbr.ind lr, $3  }
0x3a: {  	_ = 	snop  }
0x3b: {  	_ = 	snop  }
0x3c: {  	p2 =	seq.s32 s10, $0x1;
	s10 =	sld [smem:$0x3FB4]  }
0x3d: {  	_ =	shalt  }
0x3e: {  	_ =	shalt  }
0x3f: {  	_ =	shalt  }
0x40: {  	_ =	shalt  }
0x41: {  	_ =	shalt  }
0x42: {  	_ =	shalt  }
0x43: {  	_ =	shalt  }
0x44: {  	_ =	shalt  }
0x45: {  	_ =	shalt  }
0x46: {  	_ =	shalt  }
0x47: {  	_ =	shalt  }
0x48: {  	_ =	shalt  }
0x49: {  	_ =	shalt  }
0x4a: {  	_ =	shalt  }
0x4b: {  	_ =	shalt  }
0x4c: {  	_ =	shalt  }
0x4d: {  	_ =	shalt  }
0x4e: {  	_ =	shalt  }
0x4f: {  	_ =	shalt  }
0x50: {  	_ =	shalt  }
0x51: {  	_ =	shalt  }
0x52: {  	_ =	shalt  }
0x53: {  	_ =	shalt  }
0x54: {  	_ =	shalt  }
0x55: {  	_ =	shalt  }
0x56: {  	_ =	shalt  }
0x57: {  	_ =	shalt  }
0x58: {  	_ =	shalt  }
0x59: {  	_ =	shalt  }
0x5a: {  	_ =	shalt  }
0x5b: {  	_ =	shalt  }
0x5c: {  	_ =	shalt  }
0x5d: {  	_ =	shalt  }
0x5e: {  	_ =	shalt  }
0x5f: {  	_ =	shalt  }
0x60: {  	_ =	shalt  }
0x61: {  	_ =	shalt  }
0x62: {  	_ =	shalt  }
0x63: {  	_ =	shalt  }
0x64: {  	_ =	shalt  }
0x65: {  	_ =	shalt  }
0x66: {  	_ =	shalt  }
0x67: {  	_ =	shalt  }
0x68: {  	_ =	shalt  }
0x69: {  	_ =	shalt  }
0x6a: {  	_ =	shalt  }
0x6b: {  	_ =	shalt  }
0x6c: {  	_ =	shalt  }
0x6d: {  	_ =	shalt  }
0x6e: {  	_ =	shalt  }
0x6f: {  	_ =	shalt  }
0x70: {  	_ =	shalt  }
0x71: {  	_ =	shalt  }
0x72: {  	_ =	shalt  }
0x73: {  	_ =	shalt  }
0x74: {  	_ =	shalt  }
0x75: {  	_ =	shalt  }
0x76: {  	_ =	shalt  }
0x77: {  	_ =	shalt  }
0x78: {  	_ =	shalt  }
0x79: {  	_ =	shalt  }
0x7a: {  	_ =	shalt  }
0x7b: {  	_ =	shalt  }
0x7c: {  	_ =	shalt  }
0x7d: {  	_ =	shalt  }
0x7e: {  	_ =	shalt  }
0x7f: {  	_ =	shalt  }
0x80: {  	_ =	shalt  }
0x81: {  	_ =	shalt  }
0x82: {  	_ =	shalt  }
0x83: {  	_ =	shalt  }
0x84: {  	_ =	shalt  }
0x85: {  	_ =	shalt  }
0x86: {  	_ =	shalt  }
0x87: {  	_ =	shalt  }
.Lfunc_end0:
.L_simem_size_0:
called_computation.1_lowered:
.L_overlay_start_0:
0x88: {  	s2 =	sld [smem:$0x3FD9]  }
0x89: {  	s3 =	sld [smem:$0x3FFE];
	_ =	sdelay $0x1  }
0x8a: {  	s1 =	srdreg.scid  }
0x8b: {  	s0 =	sand.u32 $0x1, s1  }
0x8c: {  	s17 =	sshll.u32 s0, $0xA;
	s2 =	sadd.s32 s3, s2  }
0x8d: {  	s2 =	sadd.s32 s2, s17  }
0x8e: {  	[smem:$0x3FC0] =	sst s2  }
0x8f: {  	_ = 	snop  }
0x90: {  	s18 =	sld [smem:$0x3FC6];
	(tm) =	ssettm $0x1  }
0x91: {  	s19 =	sld [smem:$0x3FFB];
	_ =	sdelay $0x3  }
0x92: {  	_ =	strace s19  }
0x93: {  	s2 =	sld [smem:$0x3FFC];
	_ =	sdelay $0x3  }
0x94: {  	_ =	strace s2  }
0x95: {  	s2 =	sld [smem:$0x3FFD];
	_ =	sdelay $0x3  }
0x96: {  	_ =	strace s2  }
0x97: {  	_ =	strace $0x8FFFFFFF  }
0x98: {  	s20 =	sld [smem:$0x3FDB];
	_ =	sdelay $0x1  }
0x99: {  	s4 =	simm.s32 $_scs_section_size  }
0x9a: {  	s5 =	simm.s32 $_size__tile_overlayer_lowered;
	s6 =	simm.s32 $_tile_overlayer_lowered  }
0x9b: {  	s7 =	simm.s32 $0x1BFF;
	s21 =	sshll.u32 s6, $0x1;
	s4 =	sadd.s32 s4, s20  }
0x9c: {  	s22 =	simm.s32 $0x0;
	s5 =	sshll.u32 s5, $0x1;
	s6 =	sadd.s32 s21, s4  }
0x9d: {  	[timem:s22], [sflag:s7] =	dma.local [hbm:s6], s5  }
0x9e: {  	_ =	swait.ge [sflag:s7], s5  }
0x9f: {  	s5 =	ssub.s32 $0x0, s5;
	[sflag:s7] =	ssyncset.done $0x0  }
0xa0: {  	[sflag:s7] =	ssyncadd.s32 s5;
	_ =	sdelay $0x1  }
0xa1: {  	s23 =	simm.s32 $0x1B8B  }
0xa2: {  	_ =	swait.ge [sflag:s23], $0x1  }
0xa3: {  	[sflag:s23] =	ssyncset.done $0x0  }
0xa4: {  	[sflag:s23] =	ssyncadd.s32 $0xFFFFFFFF  }
0xa5: {  	s5 =	sld [smem:$0x0]  }
0xa6: {  	s6 =	sand.u32 $0xFFFFFFFE, s1  }
0xa7: {  	p0 =	sne.s32 s1, s6  }
0xa8: {  	s6 =	sshll.u32 @p0 s6, $0xE  }
0xa9: {  	s6 =	sadd.s32 @p0 $0x11B8D, s6;
	s7 =	sshll.u32 @p0 s5, $0x11  }
0xaa: {  	s6 =	sor.u32 @p0 s7, s6  }
0xab: {  	[sflag:s6] =	ssyncadd.remote.s32 @p0 $0x1;
	_ =	sdelay $0x1  }
0xac: {  	s6 =	simm.s32 @p0 $0x1B8D  }
0xad: {  	_ =	swait.eq @p0 [sflag:s6], $0x1  }
0xae: {  	[sflag:s6] =	ssyncadd.s32 @p0 $0xFFFFFFFF  }
0xaf: {  	s7 =	sshll.u32 @!p0 s1, $0xE  }
0xb0: {  	s7 =	sor.u32 @!p0 $0x4000, s7;
	s6 =	simm.s32 @!p0 $0x1B8D  }
0xb1: {  	s5 =	sshll.u32 @!p0 s5, $0x11;
	s7 =	sadd.s32 @!p0 $0x11B8D, s7;
	_ =	swait.eq @!p0 [sflag:s6], $0x1  }
0xb2: {  	s5 =	sor.u32 @!p0 s5, s7;
	[sflag:s6] =	ssyncadd.s32 @!p0 $0xFFFFFFFF  }
0xb3: {  	s25 =	simm.s32 $0x1B8E;
	s24 =	sld [smem:$0x3FFE];
	[sflag:s5] =	ssyncadd.remote.s32 @!p0 $0x1  }
0xb4: {  	s26 =	simm.s32 $execute0_lowered;
	[smem:$0x3FD2] =	sst s25  }
0xb5: {  	s6 =	sshll.u32 s26, $0x1;
	_ =	strace $0x80000049;
	[dreg:$0x1] =	wrdreg $0xFFFFFFFF  }
0xb6: {  	s28 =	simm.s32 $_size_execute0_lowered;
	s4 =	sadd.s32 s4, s6;
	[dreg:$0x0] =	wrdreg $0x0  }
0xb7: {  	s6 =	sshll.u32 s28, $0x1;
	[dreg:$0x2] =	wrdreg s4  }
0xb8: {  	[dreg:$0x3] =	wrdreg s6  }
0xb9: {  	[dreg:$0x4] =	wrdreg $0xC0  }
0xba: {  	_ =	task [dreg:s22], $0x5FFFF  }
0xbb: {  	[dreg:$0x1] =	wrdreg $0xFFFFFFFF  }
0xbc: {  	[dreg:$0x0] =	wrdreg $0x60  }
0xbd: {  	[dreg:$0x2] =	wrdreg s18  }
0xbe: {  	[dreg:$0x3] =	wrdreg s24  }
0xbf: {  	[dreg:$0x4] =	wrdreg $0xA  }
0xc0: {  	_ =	task.clear_ibuf [dreg:s22], $0x5FFFF;
	_ =	strace $0x90000049  }
0xc1: {  	s29 =	simm.s32 $0xA;
	_ =	strace $0x8000004B  }
0xc2: {  	_ =	swait.ge [sflag:s29], $0x1  }
0xc3: {  	[sflag:s29] =	ssyncadd.s32 $0xFFFFFFFF  }
0xc4: {  	_ =	strace $0x9000004B  }
0xc5: {  	_ =	sfence  }
0xc6: {  	s30 =	sld [smem:$0x0];
	_ =	sdelay $0x2  }
0xc7: {  	s31 =	sshll.u32 s1, $0xD;
	s1 =	sshrl.u32 s1, $0x2  }
0xc8: {  	s4 =	sand.u32 $0x4000, s31;
	s1 =	sadd.s32 s1, s30  }
0xc9: {  	s0 =	sor.u32 s4, s0;
	s1 =	sshll.u32 s1, $0x11  }
0xca: {  	s0 =	sor.u32 s1, s0  }
0xcb: {  	s0 =	sadd.s32 $0x8F2B, s0  }
0xcc: {  	[sflag:s0] =	ssyncadd.remote.s32 $0x1  }
0xcd: {  	_ =	sfence.sel $0xFFFF  }
0xce: {  	[dreg:$0x0] =	wrdreg $0xFFFFFFFF;
	(pc) =	sbr.abs _section_cstart, $3  }
0xcf: {  	[dreg:$0x1] =	wrdreg $0xFFFFFFFF  }
0xd0: {  	_ =	task.clear_ibuf [dreg:s22], $0x2FFFF;
	_ =	strace $0x9FFFFFFF  }
0xd1: {  	(tm) =	ssettm $0x7FFFFFFF  }
tec
execute0_lowered:
.L_overlay_start_1:
0x0: {  	(tag) =	ssettag $0x1  }
0x1: {  	s2 =	rddreg [dreg:$0x0]  }
0x2: {  	s4 =	rddreg [dreg:$0x1];
	s3 =	srdreg.scid  }
0x3: {  	s0 =	rddreg [dreg:$0x2];
	s1 =	stileid.u32  }
0x4: {  	s12 =	simm.s32 $0x80;
	s13 =	simm.s32 $0x1000;
	s14 =	simm.s32 $0x5000  }
0x5: {  	s15 =	simm.s32 $0x1;
	s16 =	simm.s32 $0x3;
	s17 =	simm.s32 $0x100  }
0x6: {  	s18 =	simm.s32 $0x2;
	s19 =	simm.s32 $0x4;
	s20 =	simm.s32 $0xF80  }
0x7: {  	s21 =	simm.s32 $0x0;
	s8 =	sand.u32 $0x1, s3;
	s3 =	simm.s32 $0x0  }
0x8: {  	s5 =	sshll.u32 s1, $0xD;
	s9 =	sadd.s32 $0x20EE00, s4;
	s10 =	sshll.u32 s1, $0x11  }
0x9: {  	s6 =	sshll.u32 s8, $0xC;
	[smem:$0x7FF] =	sst s3;
	s7 =	ssub.s32 $0x2, s8  }
0xa: {  	s10 =	sadd.s32 s10, s9;
	s11 =	sshll.u32 s8, $0x10;
	s5 =	sor.u32 s6, s5  }
0xb: {  	_ =	strace $0x8000004A;
	s31 =	sshrl.u32 s7, $0x1;
	s10 =	sadd.s32 s11, s10  }
0xc: {  	s11 =	simm.s32 $0x5;
	s6 =	sshrl.u32 s5, $0x3;
	s7 =	ssub.s32 s7, s31  }
0xd: {  	s5 =	sshll.u32 s5, $0x4;
	s10 =	sadd.s32 $0x1000, s10;
	s6 =	sadd.s32 s6, s4  }
0xe: {  	s5 =	sadd.s32 s9, s5;
	s4 =	sadd.s32 $0x20AE00, s6;
	s6 =	smax.u32 s7, $0x1  }
0xf: {  	s7 =	sadd.s32 $0x800, s5;
	s8 =	sadd.s32 $0xF000, s5;
	s9 =	sadd.s32 $0xF800, s5  }
.LBB2_1:
0x10: {  	[tilespmem:s3], [sflag:$0x5] =	stream.linear.gather [hbm4b:s4+s3], $0x1000, $0x38;
	[tilespmem:$0x9000] =	vst v63  }
0x11: {  	_ =	swait.ge [sflag:s11], $0x1000  }
0x12: {  	[sflag:s11] =	ssyncset.done $0x0  }
0x13: {  	[sflag:s11] =	ssyncadd.s32 $0xFFFFF000  }
0x14: {  	[tilespmem:s13], [sflag:$0x1] =	stream.indirect.gather [hbm4b:s2+s12], $0x80, s3, s12, $0xb8;
	[tilespmem:$0x9000] =	vst v63  }
0x15: {  	_ = 	snop  }
0x16: {  	[tilespmem:s14], [sflag:$0x2] =	stream.indirect.gather [hbm4b:s2+s12], $0x80, s12, s12, $0xb8;
	[tilespmem:$0x9000] =	vst v63  }
0x17: {  	_ =	swait.ge [sflag:s15], $0x4000  }
0x18: {  	[sflag:s15] =	ssyncset.done $0x0  }
0x19: {  	[sflag:s15] =	ssyncadd.s32 $0xFFFFC000  }
0x1a: {  	[hbm4b:s5+s3] =	stream.linear.scatter [tilespmem:s13], [sflag:$0x3], $0x4000, $0x38;
	[tilespmem:$0x9000] =	vst v63  }
0x1b: {  	_ =	swait.ge [sflag:s16], $0x4000  }
0x1c: {  	[sflag:s16] =	ssyncset.done $0x0  }
0x1d: {  	[sflag:s16] =	ssyncadd.s32 $0xFFFFC000  }
0x1e: {  	[tilespmem:s13], [sflag:$0x1] =	stream.indirect.gather [hbm4b:s2+s12], $0x80, s17, s12, $0xb8;
	[tilespmem:$0x9000] =	vst v63  }
0x1f: {  	_ =	swait.ge [sflag:s18], $0x4000  }
0x20: {  	[sflag:s18] =	ssyncset.done $0x0  }
0x21: {  	[sflag:s18] =	ssyncadd.s32 $0xFFFFC000  }
0x22: {  	[hbm4b:s7+s3] =	stream.linear.scatter [tilespmem:s14], [sflag:$0x4], $0x4000, $0x38;
	[tilespmem:$0x9000] =	vst v63  }
0x23: {  	_ =	swait.ge [sflag:s19], $0x4000  }
0x24: {  	[sflag:s19] =	ssyncset.done $0x0  }
0x25: {  	s22 =	simm.s32 $0x180;
	[sflag:s19] =	ssyncadd.s32 $0xFFFFC000  }
0x26: {  	[tilespmem:s14], [sflag:$0x2] =	stream.indirect.gather [hbm4b:s2+s12], $0x80, s22, s12, $0xb8;
	[tilespmem:$0x9000] =	vst v63  }
0x27: {  	_ =	swait.ge [sflag:s15], $0x4000  }
0x28: {  	[sflag:s15] =	ssyncset.done $0x0  }
0x29: {  	[sflag:s15] =	ssyncadd.s32 $0xFFFFC000  }
0x2a: {  	[hbm4b:s10+s3] =	stream.linear.scatter [tilespmem:s13], [sflag:$0x3], $0x4000, $0x38;
	[tilespmem:$0x9000] =	vst v63  }
0x2b: {  	_ =	swait.ge [sflag:s16], $0x4000  }
0x2c: {  	[sflag:s16] =	ssyncset.done $0x0  }
0x2d: {  	s31 =	simm.s32 $0x200;
	[sflag:s16] =	ssyncadd.s32 $0xFFFFC000  }
0x2e: {  	[tilespmem:s13], [sflag:$0x1] =	stream.indirect.gather [hbm4b:s2+s12], $0x80, s31, s12, $0xb8;
	[tilespmem:$0x9000] =	vst v63  }
0x2f: {  	_ =	swait.ge [sflag:s18], $0x4000  }
0x30: {  	s24 =	sadd.s32 $0x800, s10;
	[sflag:s18] =	ssyncset.done $0x0  }
0x31: {  	s23 =	sadd.s32 $0x1000, s10;
	s22 =	simm.s32 $0x400;
	[sflag:s18] =	ssyncadd.s32 $0xFFFFC000  }
.LBB2_2:
0x32: {  	[hbm4b:s24+s3] =	stream.linear.scatter [tilespmem:s14], [sflag:$0x4], $0x4000, $0x38;
	[tilespmem:$0x9000] =	vst v63  }
0x33: {  	s24 =	smov.u32 s22  }
0x34: {  	p0 =	sne.s32 s22, $0x3400;
	s22 =	sadd.s32 $0x400, s22;
	_ =	swait.ge [sflag:s19], $0x4000  }
0x35: {  	s24 =	sshra.s32 s24, $0x2;
	[sflag:s19] =	ssyncset.done $0x0  }
0x36: {  	s25 =	sadd.s32 $0x180, s24;
	[sflag:s19] =	ssyncadd.s32 $0xFFFFC000  }
0x37: {  	[tilespmem:s14], [sflag:$0x2] =	stream.indirect.gather [hbm4b:s2+s12], $0x80, s25, s12, $0xb8;
	[tilespmem:$0x9000] =	vst v63  }
0x38: {  	_ =	swait.ge [sflag:s15], $0x4000  }
0x39: {  	[sflag:s15] =	ssyncset.done $0x0  }
0x3a: {  	[sflag:s15] =	ssyncadd.s32 $0xFFFFC000  }
0x3b: {  	[hbm4b:s23+s3] =	stream.linear.scatter [tilespmem:s13], [sflag:$0x3], $0x4000, $0x38;
	[tilespmem:$0x9000] =	vst v63  }
0x3c: {  	_ =	swait.ge [sflag:s16], $0x4000  }
0x3d: {  	[sflag:s16] =	ssyncset.done $0x0  }
.Ltmp0:
0x3e: {  	s24 =	sadd.s32 $0x200, s24;
	[sflag:s16] =	ssyncadd.s32 $0xFFFFC000;
	(pc) =	sbr.rel @p0 .LBB2_2-.Ltmp0, $4  }
0x3f: {  	[tilespmem:s13], [sflag:$0x1] =	stream.indirect.gather [hbm4b:s2+s12], $0x80, s24, s12, $0xb8;
	[tilespmem:$0x9000] =	vst v63  }
0x40: {  	_ =	swait.ge [sflag:s18], $0x4000  }
0x41: {  	[sflag:s18] =	ssyncset.done $0x0  }
0x42: {  	s24 =	sadd.s32 $0x800, s23;
	s23 =	sadd.s32 $0x1000, s23;
	[sflag:s18] =	ssyncadd.s32 $0xFFFFC000  }
0x43: {  	[hbm4b:s24+s3] =	stream.linear.scatter [tilespmem:s14], [sflag:$0x4], $0x4000, $0x38;
	[tilespmem:$0x9000] =	vst v63  }
0x44: {  	_ =	swait.ge [sflag:s19], $0x4000  }
0x45: {  	[sflag:s19] =	ssyncset.done $0x0  }
0x46: {  	[sflag:s19] =	ssyncadd.s32 $0xFFFFC000  }
0x47: {  	[tilespmem:s14], [sflag:$0x2] =	stream.indirect.gather [hbm4b:s2+s12], $0x80, s20, s12, $0xb8;
	[tilespmem:$0x9000] =	vst v63  }
0x48: {  	_ =	swait.ge [sflag:s15], $0x4000  }
0x49: {  	[sflag:s15] =	ssyncset.done $0x0  }
0x4a: {  	[sflag:s15] =	ssyncadd.s32 $0xFFFFC000  }
0x4b: {  	[hbm4b:s8+s3] =	stream.linear.scatter [tilespmem:s13], [sflag:$0x3], $0x4000, $0x38;
	[tilespmem:$0x9000] =	vst v63  }
0x4c: {  	_ =	swait.ge [sflag:s18], $0x4000  }
0x4d: {  	[sflag:s18] =	ssyncset.done $0x0  }
0x4e: {  	s21 =	sadd.s32 $0x1, s21;
	[sflag:s18] =	ssyncadd.s32 $0xFFFFC000  }
0x4f: {  	[hbm4b:s9+s3] =	stream.linear.scatter [tilespmem:s14], [sflag:$0x4], $0x4000, $0x38;
	[tilespmem:$0x9000] =	vst v63  }
0x50: {  	p0 =	sne.s32 s21, s6;
	_ =	swait.ge [sflag:s16], $0x4000  }
.Ltmp1:
0x51: {  	[sflag:s16] =	ssyncset.done $0x0;
	(pc) =	sbr.rel @p0 .LBB2_1-.Ltmp1, $4  }
0x52: {  	[sflag:s16] =	ssyncadd.s32 $0xFFFFC000  }
0x53: {  	_ =	swait.ge [sflag:s19], $0x4000  }
0x54: {  	[sflag:s19] =	ssyncset.done $0x0  }
0x55: {  	[sflag:s19] =	ssyncadd.s32 $0xFFFFC000  }
0x56: {  	_ =	sfence.sel $0x180000  }
0x57: {  	[bflag:$0x0] =	sbarrier.arrive $0xFFFF  }
0x58: {  	p0 =	sne.s32 s1, $0x0;
	_ =	strace $0x9000004A  }
0x59: {  	s0 =	sadd.s32 @!p0 $0x100000, s0;
	[bflag:$0x2] =	sbarrier.arrive $0xFFFF  }
0x5a: {  	[sflag:s0] =	ssyncadd.tile.s32 @!p0 $0x1;
	_ =	shalt  }
.Lfunc_end2:
_tile_overlayer_lowered:
.L_overlay_start_2:
0x5b: {  	(tag) =	ssettag $0x2  }
0x5c: {  	s0 =	rddreg [dreg:$0x0];
	s2 =	stileid.u32  }
0x5d: {  	s1 =	rddreg [dreg:$0x1];
	p0 =	sne.s32 s2, $0x0  }
0x5e: {  	s3 =	rddreg [dreg:$0x2];
	[bflag:$0x3] =	sbarrier.arrive $0xFFFF;
	s2 =	simm.s32 @!p0 $0x1C05  }
0x5f: {  	[timem:s3], [sflag:s2] =	dma.local @!p0 [hbm:s0], s1  }
0x60: {  	s0 =	simm.s32 @!p0 $0x5  }
0x61: {  	_ =	swait.ge @!p0 [sflag:s0], s1  }
0x62: {  	s1 =	ssub.s32 @!p0 $0x0, s1;
	[sflag:s0] =	ssyncset.done @!p0 $0x0  }
0x63: {  	[sflag:s0] =	ssyncadd.s32 @!p0 s1  }
0x64: {  	[bflag:$0x3] =	sbarrier.arrive $0xFFFF  }
0x65: {  	_ =	shalt  }

// kernel: kernel.16.cloned.1.call-start
scs
__scs_entry_jumppad:
0x0: {  	(pc) =	sbr.rel $0x88, $3  }
0x1: {  	(tag) =	ssettag $0x0;
	lr =	simm.s32 $0x1  }
0x2: {  	[smem:$0x3F99] =	sst lr;
	_ =	strace $0xD0000000  }
0x3: {  	_ = 	snop  }
0x4: {  	_ = 	snop  }
0x5: {  	_ = 	snop  }
0x6: {  	_ = 	snop  }
0x7: {  	_ = 	snop  }
__scs_overlays_trampoline_lowered:
0x8: {  	[smem:$0x3FA8] =	sst s0  }
0x9: {  	[smem:$0x3FA9] =	sst s1  }
0xa: {  	[smem:$0x3FAA] =	sst s2  }
0xb: {  	[smem:$0x3FAB] =	sst s3  }
0xc: {  	[smem:$0x3FAC] =	sst s4  }
0xd: {  	[smem:$0x3FAD] =	sst s5  }
0xe: {  	[smem:$0x3FAE] =	sst s6  }
0xf: {  	[smem:$0x3FAF] =	sst s7  }
0x10: {  	[smem:$0x3FB0] =	sst s8  }
0x11: {  	[smem:$0x3FB1] =	sst s9;
	s0 =	simm.s32 @!p0 $0x0  }
0x12: {  	s1 =	sld [smem:$0x3F97];
	s0 =	simm.s32 @p0 $0x1  }
0x13: {  	[smem:$0x3FB2] =	sst s0;
	s0 =	simm.s32 @!p1 $0x0  }
0x14: {  	s2 =	sld [smem:$0x3F96];
	s0 =	simm.s32 @p1 $0x1  }
0x15: {  	[smem:$0x3FB3] =	sst s0;
	s0 =	simm.s32 @!p2 $0x0  }
0x16: {  	s3 =	sld [smem:$0x3FDB];
	s0 =	simm.s32 @p2 $0x1  }
0x17: {  	s4 =	simm.s32 $0x1BF5;
	[smem:$0x3FB5] =	sst s0  }
0x18: {  	s0 =	sld [smem:$0x3F98];
	_ =	swait.ge [sflag:s4], $0x0  }
0x19: {  	s7 =	sld [smem:$0x3F99]  }
0x1a: {  	s8 =	sadd.s32 $0xFFFFE003, lr  }
0x1b: {  	s9 =	sadd.s32 $0xFFFFFEF7, lr;
	s5 =	simm.s32 $0xFFFFFFFF;
	p2 =	slt.u32 s8, $0xFFFFF086  }
0x1c: {  	p1 =	slt.u32 s9, $0xF7A;
	s5 =	simm.s32 @!p2 $0x0  }
0x1d: {  	s5 =	simm.s32 @p1 $0x1;
	p0 =	seq.s32 s7, s2  }
0x1e: {  	s7 =	smul.u32 @!p0 $0xF7A, s2;
	p2 =	seq.s32 @!p0 s5, $0x0  }
0x1f: {  	s9 =	smul.u32 $0xF7A, s1;
	s8 =	simm.s32 @!p0 $0x1BF5;
	p2 =	por !p2, p0  }
0x20: {  	[sflag:s8] =	ssyncset.s32 @!p0 $0xFFFFF086;
	s6 =	sadd.s32 @!p0 s3, s7;
	s7 =	simm.s32 @!p0 $0x108  }
0x21: {  	s3 =	sadd.s32 s3, s9;
	s6 =	sadd.s32 @!p0 $0x88, s6;
	s7 =	simm.s32 @p2 $0x1082  }
0x22: {  	[simem:s7], [sflag:s8] =	dma.local @!p0 [hbm:s6], $0xF7A  }
0x23: {  	s9 =	sor.u32 $0xD0000000, s2;
	s6 =	simm.s32 $0x108;
	_ =	swait.ge @!p0 [sflag:s8], $0x0  }
0x24: {  	s3 =	sadd.s32 $0x88, s3;
	s6 =	simm.s32 @!p1 $0x1082;
	[sflag:s4] =	ssyncset.s32 $0xFFFFF086  }
0x25: {  	[simem:s6], [sflag:s4] =	dma.local [hbm:s3], $0xF7A  }
0x26: {  	[smem:$0x3F99] =	sst s1;
	(tag) =	ssettag s2;
	_ =	strace s9  }
0x27: {  	s1 =	sld [smem:$0x3FA9]  }
0x28: {  	s2 =	sld [smem:$0x3FAA]  }
0x29: {  	s4 =	sld [smem:$0x3FAC]  }
0x2a: {  	p0 =	seq.s32 s5, $0x0;
	s5 =	sld [smem:$0x3FAD]  }
0x2b: {  	s6 =	sld [smem:$0x3FAE]  }
0x2c: {  	s7 =	sld [smem:$0x3FAF]  }
0x2d: {  	s3 =	simm.s32 $0x108;
	s8 =	sld [smem:$0x3FB0]  }
0x2e: {  	s3 =	simm.s32 @!p0 $0x1082;
	s9 =	sld [smem:$0x3FB1]  }
0x2f: {  	lr =	sadd.s32 s0, s3;
	s0 =	sld [smem:$0x3FA8]  }
0x30: {  	s3 =	sld [smem:$0x3FAB]  }
0x31: {  	[smem:$0x3FB4] =	sst s10  }
0x32: {  	s10 =	sld [smem:$0x3FB2];
	_ =	sdelay $0x3  }
0x33: {  	p0 =	seq.s32 s10, $0x1;
	s10 =	sld [smem:$0x3FB4];
	_ =	sdelay $0x3  }
0x34: {  	[smem:$0x3FB4] =	sst s10  }
0x35: {  	s10 =	sld [smem:$0x3FB3];
	_ =	sdelay $0x3  }
0x36: {  	p1 =	seq.s32 s10, $0x1;
	s10 =	sld [smem:$0x3FB4];
	_ =	sdelay $0x3  }
0x37: {  	[smem:$0x3FB4] =	sst s10  }
0x38: {  	s10 =	sld [smem:$0x3FB5]  }
0x39: {  	_ = 	snop;
	(pc) =	sbr.ind lr, $3  }
0x3a: {  	_ = 	snop  }
0x3b: {  	_ = 	snop  }
0x3c: {  	p2 =	seq.s32 s10, $0x1;
	s10 =	sld [smem:$0x3FB4]  }
0x3d: {  	_ =	shalt  }
0x3e: {  	_ =	shalt  }
0x3f: {  	_ =	shalt  }
0x40: {  	_ =	shalt  }
0x41: {  	_ =	shalt  }
0x42: {  	_ =	shalt  }
0x43: {  	_ =	shalt  }
0x44: {  	_ =	shalt  }
0x45: {  	_ =	shalt  }
0x46: {  	_ =	shalt  }
0x47: {  	_ =	shalt  }
0x48: {  	_ =	shalt  }
0x49: {  	_ =	shalt  }
0x4a: {  	_ =	shalt  }
0x4b: {  	_ =	shalt  }
0x4c: {  	_ =	shalt  }
0x4d: {  	_ =	shalt  }
0x4e: {  	_ =	shalt  }
0x4f: {  	_ =	shalt  }
0x50: {  	_ =	shalt  }
0x51: {  	_ =	shalt  }
0x52: {  	_ =	shalt  }
0x53: {  	_ =	shalt  }
0x54: {  	_ =	shalt  }
0x55: {  	_ =	shalt  }
0x56: {  	_ =	shalt  }
0x57: {  	_ =	shalt  }
0x58: {  	_ =	shalt  }
0x59: {  	_ =	shalt  }
0x5a: {  	_ =	shalt  }
0x5b: {  	_ =	shalt  }
0x5c: {  	_ =	shalt  }
0x5d: {  	_ =	shalt  }
0x5e: {  	_ =	shalt  }
0x5f: {  	_ =	shalt  }
0x60: {  	_ =	shalt  }
0x61: {  	_ =	shalt  }
0x62: {  	_ =	shalt  }
0x63: {  	_ =	shalt  }
0x64: {  	_ =	shalt  }
0x65: {  	_ =	shalt  }
0x66: {  	_ =	shalt  }
0x67: {  	_ =	shalt  }
0x68: {  	_ =	shalt  }
0x69: {  	_ =	shalt  }
0x6a: {  	_ =	shalt  }
0x6b: {  	_ =	shalt  }
0x6c: {  	_ =	shalt  }
0x6d: {  	_ =	shalt  }
0x6e: {  	_ =	shalt  }
0x6f: {  	_ =	shalt  }
0x70: {  	_ =	shalt  }
0x71: {  	_ =	shalt  }
0x72: {  	_ =	shalt  }
0x73: {  	_ =	shalt  }
0x74: {  	_ =	shalt  }
0x75: {  	_ =	shalt  }
0x76: {  	_ =	shalt  }
0x77: {  	_ =	shalt  }
0x78: {  	_ =	shalt  }
0x79: {  	_ =	shalt  }
0x7a: {  	_ =	shalt  }
0x7b: {  	_ =	shalt  }
0x7c: {  	_ =	shalt  }
0x7d: {  	_ =	shalt  }
0x7e: {  	_ =	shalt  }
0x7f: {  	_ =	shalt  }
0x80: {  	_ =	shalt  }
0x81: {  	_ =	shalt  }
0x82: {  	_ =	shalt  }
0x83: {  	_ =	shalt  }
0x84: {  	_ =	shalt  }
0x85: {  	_ =	shalt  }
0x86: {  	_ =	shalt  }
0x87: {  	_ =	shalt  }
.Lfunc_end0:
.L_simem_size_0:
called_computation.2_lowered:
.L_overlay_start_0:
0x88: {  	s2 =	sld [smem:$0x3FD9]  }
0x89: {  	s3 =	sld [smem:$0x3FFE];
	_ =	sdelay $0x1  }
0x8a: {  	s1 =	srdreg.scid  }
0x8b: {  	s0 =	sand.u32 $0x1, s1  }
0x8c: {  	s17 =	sshll.u32 s0, $0xA;
	s2 =	sadd.s32 s3, s2  }
0x8d: {  	s2 =	sadd.s32 s2, s17  }
0x8e: {  	[smem:$0x3FC0] =	sst s2  }
0x8f: {  	_ = 	snop  }
0x90: {  	s18 =	sld [smem:$0x3FC6];
	(tm) =	ssettm $0x1  }
0x91: {  	s19 =	sld [smem:$0x3FFB];
	_ =	sdelay $0x3  }
0x92: {  	_ =	strace s19  }
0x93: {  	s2 =	sld [smem:$0x3FFC];
	_ =	sdelay $0x3  }
0x94: {  	_ =	strace s2  }
0x95: {  	s2 =	sld [smem:$0x3FFD];
	_ =	sdelay $0x3  }
0x96: {  	_ =	strace s2  }
0x97: {  	_ =	strace $0x8FFFFFFF  }
0x98: {  	s20 =	sld [smem:$0x3FDB];
	_ =	sdelay $0x1  }
0x99: {  	s4 =	simm.s32 $_scs_section_size  }
0x9a: {  	s5 =	simm.s32 $_size__tile_overlayer_lowered;
	s6 =	simm.s32 $_tile_overlayer_lowered  }
0x9b: {  	s7 =	simm.s32 $0x1BFF;
	s21 =	sshll.u32 s6, $0x1;
	s4 =	sadd.s32 s4, s20  }
0x9c: {  	s22 =	simm.s32 $0x0;
	s5 =	sshll.u32 s5, $0x1;
	s6 =	sadd.s32 s21, s4  }
0x9d: {  	[timem:s22], [sflag:s7] =	dma.local [hbm:s6], s5  }
0x9e: {  	_ =	swait.ge [sflag:s7], s5  }
0x9f: {  	s5 =	ssub.s32 $0x0, s5;
	[sflag:s7] =	ssyncset.done $0x0  }
0xa0: {  	[sflag:s7] =	ssyncadd.s32 s5;
	_ =	sdelay $0x1  }
0xa1: {  	s23 =	simm.s32 $0x1B8B  }
0xa2: {  	_ =	swait.ge [sflag:s23], $0x1  }
0xa3: {  	[sflag:s23] =	ssyncset.done $0x0  }
0xa4: {  	[sflag:s23] =	ssyncadd.s32 $0xFFFFFFFF  }
0xa5: {  	s5 =	sld [smem:$0x0]  }
0xa6: {  	s6 =	sand.u32 $0xFFFFFFFE, s1  }
0xa7: {  	p0 =	sne.s32 s1, s6  }
0xa8: {  	s6 =	sshll.u32 @p0 s6, $0xE  }
0xa9: {  	s6 =	sadd.s32 @p0 $0x11B8D, s6;
	s7 =	sshll.u32 @p0 s5, $0x11  }
0xaa: {  	s6 =	sor.u32 @p0 s7, s6  }
0xab: {  	[sflag:s6] =	ssyncadd.remote.s32 @p0 $0x1;
	_ =	sdelay $0x1  }
0xac: {  	s6 =	simm.s32 @p0 $0x1B8D  }
0xad: {  	_ =	swait.eq @p0 [sflag:s6], $0x1  }
0xae: {  	[sflag:s6] =	ssyncadd.s32 @p0 $0xFFFFFFFF  }
0xaf: {  	s7 =	sshll.u32 @!p0 s1, $0xE  }
0xb0: {  	s7 =	sor.u32 @!p0 $0x4000, s7;
	s6 =	simm.s32 @!p0 $0x1B8D  }
0xb1: {  	s5 =	sshll.u32 @!p0 s5, $0x11;
	s7 =	sadd.s32 @!p0 $0x11B8D, s7;
	_ =	swait.eq @!p0 [sflag:s6], $0x1  }
0xb2: {  	s5 =	sor.u32 @!p0 s5, s7;
	[sflag:s6] =	ssyncadd.s32 @!p0 $0xFFFFFFFF  }
0xb3: {  	s25 =	simm.s32 $0x1B8E;
	s24 =	sld [smem:$0x3FFE];
	[sflag:s5] =	ssyncadd.remote.s32 @!p0 $0x1  }
0xb4: {  	s26 =	simm.s32 $execute0_lowered;
	[smem:$0x3FD2] =	sst s25  }
0xb5: {  	s6 =	sshll.u32 s26, $0x1;
	_ =	strace $0x8000004C;
	[dreg:$0x1] =	wrdreg $0xFFFFFFFF  }
0xb6: {  	s28 =	simm.s32 $_size_execute0_lowered;
	s4 =	sadd.s32 s4, s6;
	[dreg:$0x0] =	wrdreg $0x0  }
0xb7: {  	s6 =	sshll.u32 s28, $0x1;
	[dreg:$0x2] =	wrdreg s4  }
0xb8: {  	[dreg:$0x3] =	wrdreg s6  }
0xb9: {  	[dreg:$0x4] =	wrdreg $0xC0  }
0xba: {  	_ =	task [dreg:s22], $0x5FFFF  }
0xbb: {  	[dreg:$0x1] =	wrdreg $0xFFFFFFFF  }
0xbc: {  	[dreg:$0x0] =	wrdreg $0x60  }
0xbd: {  	[dreg:$0x2] =	wrdreg s18  }
0xbe: {  	[dreg:$0x3] =	wrdreg s24  }
0xbf: {  	[dreg:$0x4] =	wrdreg $0xB  }
0xc0: {  	_ =	task.clear_ibuf [dreg:s22], $0x5FFFF;
	_ =	strace $0x9000004C  }
0xc1: {  	s29 =	simm.s32 $0xB;
	_ =	strace $0x8000004E  }
0xc2: {  	_ =	swait.ge [sflag:s29], $0x1  }
0xc3: {  	[sflag:s29] =	ssyncadd.s32 $0xFFFFFFFF  }
0xc4: {  	_ =	strace $0x9000004E  }
0xc5: {  	_ =	sfence  }
0xc6: {  	s30 =	sld [smem:$0x0];
	_ =	sdelay $0x2  }
0xc7: {  	s31 =	sshll.u32 s1, $0xD;
	s1 =	sshrl.u32 s1, $0x2  }
0xc8: {  	s4 =	sand.u32 $0x4000, s31;
	s1 =	sadd.s32 s1, s30  }
0xc9: {  	s0 =	sor.u32 s4, s0;
	s1 =	sshll.u32 s1, $0x11  }
0xca: {  	s0 =	sor.u32 s1, s0  }
0xcb: {  	s0 =	sadd.s32 $0x8F2B, s0  }
0xcc: {  	[sflag:s0] =	ssyncadd.remote.s32 $0x1  }
0xcd: {  	_ =	sfence.sel $0xFFFF  }
0xce: {  	[dreg:$0x0] =	wrdreg $0xFFFFFFFF;
	(pc) =	sbr.abs _section_cstart, $3  }
0xcf: {  	[dreg:$0x1] =	wrdreg $0xFFFFFFFF  }
0xd0: {  	_ =	task.clear_ibuf [dreg:s22], $0x2FFFF;
	_ =	strace $0x9FFFFFFF  }
0xd1: {  	(tm) =	ssettm $0x7FFFFFFF  }
tec
execute0_lowered:
.L_overlay_start_1:
0x0: {  	(tag) =	ssettag $0x1  }
0x1: {  	s2 =	rddreg [dreg:$0x0]  }
0x2: {  	s4 =	rddreg [dreg:$0x1];
	s3 =	srdreg.scid  }
0x3: {  	s0 =	rddreg [dreg:$0x2];
	s1 =	stileid.u32  }
0x4: {  	s12 =	simm.s32 $0x80;
	s13 =	simm.s32 $0x1000;
	s14 =	simm.s32 $0x5000  }
0x5: {  	s15 =	simm.s32 $0x1;
	s16 =	simm.s32 $0x3;
	s17 =	simm.s32 $0x100  }
0x6: {  	s18 =	simm.s32 $0x2;
	s19 =	simm.s32 $0x4;
	s20 =	simm.s32 $0xF80  }
0x7: {  	s21 =	simm.s32 $0x0;
	s8 =	sand.u32 $0x1, s3;
	s3 =	simm.s32 $0x0  }
0x8: {  	s5 =	sshll.u32 s1, $0xD;
	s9 =	sadd.s32 $0x412E00, s4;
	s10 =	sshll.u32 s1, $0x11  }
0x9: {  	s6 =	sshll.u32 s8, $0xC;
	[smem:$0x7FF] =	sst s3;
	s7 =	ssub.s32 $0x2, s8  }
0xa: {  	s10 =	sadd.s32 s10, s9;
	s11 =	sshll.u32 s8, $0x10;
	s5 =	sor.u32 s6, s5  }
0xb: {  	_ =	strace $0x8000004D;
	s31 =	sshrl.u32 s7, $0x1;
	s10 =	sadd.s32 s11, s10  }
0xc: {  	s11 =	simm.s32 $0x5;
	s6 =	sshrl.u32 s5, $0x3;
	s7 =	ssub.s32 s7, s31  }
0xd: {  	s5 =	sshll.u32 s5, $0x4;
	s10 =	sadd.s32 $0x1000, s10;
	s6 =	sadd.s32 s6, s4  }
0xe: {  	s5 =	sadd.s32 s9, s5;
	s4 =	sadd.s32 $0x40EE00, s6;
	s6 =	smax.u32 s7, $0x1  }
0xf: {  	s7 =	sadd.s32 $0x800, s5;
	s8 =	sadd.s32 $0xF000, s5;
	s9 =	sadd.s32 $0xF800, s5  }
.LBB2_1:
0x10: {  	[tilespmem:s3], [sflag:$0x5] =	stream.linear.gather [hbm4b:s4+s3], $0x1000, $0x38;
	[tilespmem:$0x9000] =	vst v63  }
0x11: {  	_ =	swait.ge [sflag:s11], $0x1000  }
0x12: {  	[sflag:s11] =	ssyncset.done $0x0  }
0x13: {  	[sflag:s11] =	ssyncadd.s32 $0xFFFFF000  }
0x14: {  	[tilespmem:s13], [sflag:$0x1] =	stream.indirect.gather [hbm4b:s2+s12], $0x80, s3, s12, $0xb8;
	[tilespmem:$0x9000] =	vst v63  }
0x15: {  	_ = 	snop  }
0x16: {  	[tilespmem:s14], [sflag:$0x2] =	stream.indirect.gather [hbm4b:s2+s12], $0x80, s12, s12, $0xb8;
	[tilespmem:$0x9000] =	vst v63  }
0x17: {  	_ =	swait.ge [sflag:s15], $0x4000  }
0x18: {  	[sflag:s15] =	ssyncset.done $0x0  }
0x19: {  	[sflag:s15] =	ssyncadd.s32 $0xFFFFC000  }
0x1a: {  	[hbm4b:s5+s3] =	stream.linear.scatter [tilespmem:s13], [sflag:$0x3], $0x4000, $0x38;
	[tilespmem:$0x9000] =	vst v63  }
0x1b: {  	_ =	swait.ge [sflag:s16], $0x4000  }
0x1c: {  	[sflag:s16] =	ssyncset.done $0x0  }
0x1d: {  	[sflag:s16] =	ssyncadd.s32 $0xFFFFC000  }
0x1e: {  	[tilespmem:s13], [sflag:$0x1] =	stream.indirect.gather [hbm4b:s2+s12], $0x80, s17, s12, $0xb8;
	[tilespmem:$0x9000] =	vst v63  }
0x1f: {  	_ =	swait.ge [sflag:s18], $0x4000  }
0x20: {  	[sflag:s18] =	ssyncset.done $0x0  }
0x21: {  	[sflag:s18] =	ssyncadd.s32 $0xFFFFC000  }
0x22: {  	[hbm4b:s7+s3] =	stream.linear.scatter [tilespmem:s14], [sflag:$0x4], $0x4000, $0x38;
	[tilespmem:$0x9000] =	vst v63  }
0x23: {  	_ =	swait.ge [sflag:s19], $0x4000  }
0x24: {  	[sflag:s19] =	ssyncset.done $0x0  }
0x25: {  	s22 =	simm.s32 $0x180;
	[sflag:s19] =	ssyncadd.s32 $0xFFFFC000  }
0x26: {  	[tilespmem:s14], [sflag:$0x2] =	stream.indirect.gather [hbm4b:s2+s12], $0x80, s22, s12, $0xb8;
	[tilespmem:$0x9000] =	vst v63  }
0x27: {  	_ =	swait.ge [sflag:s15], $0x4000  }
0x28: {  	[sflag:s15] =	ssyncset.done $0x0  }
0x29: {  	[sflag:s15] =	ssyncadd.s32 $0xFFFFC000  }
0x2a: {  	[hbm4b:s10+s3] =	stream.linear.scatter [tilespmem:s13], [sflag:$0x3], $0x4000, $0x38;
	[tilespmem:$0x9000] =	vst v63  }
0x2b: {  	_ =	swait.ge [sflag:s16], $0x4000  }
0x2c: {  	[sflag:s16] =	ssyncset.done $0x0  }
0x2d: {  	s31 =	simm.s32 $0x200;
	[sflag:s16] =	ssyncadd.s32 $0xFFFFC000  }
0x2e: {  	[tilespmem:s13], [sflag:$0x1] =	stream.indirect.gather [hbm4b:s2+s12], $0x80, s31, s12, $0xb8;
	[tilespmem:$0x9000] =	vst v63  }
0x2f: {  	_ =	swait.ge [sflag:s18], $0x4000  }
0x30: {  	s24 =	sadd.s32 $0x800, s10;
	[sflag:s18] =	ssyncset.done $0x0  }
0x31: {  	s23 =	sadd.s32 $0x1000, s10;
	s22 =	simm.s32 $0x400;
	[sflag:s18] =	ssyncadd.s32 $0xFFFFC000  }
.LBB2_2:
0x32: {  	[hbm4b:s24+s3] =	stream.linear.scatter [tilespmem:s14], [sflag:$0x4], $0x4000, $0x38;
	[tilespmem:$0x9000] =	vst v63  }
0x33: {  	s24 =	smov.u32 s22  }
0x34: {  	p0 =	sne.s32 s22, $0x3400;
	s22 =	sadd.s32 $0x400, s22;
	_ =	swait.ge [sflag:s19], $0x4000  }
0x35: {  	s24 =	sshra.s32 s24, $0x2;
	[sflag:s19] =	ssyncset.done $0x0  }
0x36: {  	s25 =	sadd.s32 $0x180, s24;
	[sflag:s19] =	ssyncadd.s32 $0xFFFFC000  }
0x37: {  	[tilespmem:s14], [sflag:$0x2] =	stream.indirect.gather [hbm4b:s2+s12], $0x80, s25, s12, $0xb8;
	[tilespmem:$0x9000] =	vst v63  }
0x38: {  	_ =	swait.ge [sflag:s15], $0x4000  }
0x39: {  	[sflag:s15] =	ssyncset.done $0x0  }
0x3a: {  	[sflag:s15] =	ssyncadd.s32 $0xFFFFC000  }
0x3b: {  	[hbm4b:s23+s3] =	stream.linear.scatter [tilespmem:s13], [sflag:$0x3], $0x4000, $0x38;
	[tilespmem:$0x9000] =	vst v63  }
0x3c: {  	_ =	swait.ge [sflag:s16], $0x4000  }
0x3d: {  	[sflag:s16] =	ssyncset.done $0x0  }
.Ltmp0:
0x3e: {  	s24 =	sadd.s32 $0x200, s24;
	[sflag:s16] =	ssyncadd.s32 $0xFFFFC000;
	(pc) =	sbr.rel @p0 .LBB2_2-.Ltmp0, $4  }
0x3f: {  	[tilespmem:s13], [sflag:$0x1] =	stream.indirect.gather [hbm4b:s2+s12], $0x80, s24, s12, $0xb8;
	[tilespmem:$0x9000] =	vst v63  }
0x40: {  	_ =	swait.ge [sflag:s18], $0x4000  }
0x41: {  	[sflag:s18] =	ssyncset.done $0x0  }
0x42: {  	s24 =	sadd.s32 $0x800, s23;
	s23 =	sadd.s32 $0x1000, s23;
	[sflag:s18] =	ssyncadd.s32 $0xFFFFC000  }
0x43: {  	[hbm4b:s24+s3] =	stream.linear.scatter [tilespmem:s14], [sflag:$0x4], $0x4000, $0x38;
	[tilespmem:$0x9000] =	vst v63  }
0x44: {  	_ =	swait.ge [sflag:s19], $0x4000  }
0x45: {  	[sflag:s19] =	ssyncset.done $0x0  }
0x46: {  	[sflag:s19] =	ssyncadd.s32 $0xFFFFC000  }
0x47: {  	[tilespmem:s14], [sflag:$0x2] =	stream.indirect.gather [hbm4b:s2+s12], $0x80, s20, s12, $0xb8;
	[tilespmem:$0x9000] =	vst v63  }
0x48: {  	_ =	swait.ge [sflag:s15], $0x4000  }
0x49: {  	[sflag:s15] =	ssyncset.done $0x0  }
0x4a: {  	[sflag:s15] =	ssyncadd.s32 $0xFFFFC000  }
0x4b: {  	[hbm4b:s8+s3] =	stream.linear.scatter [tilespmem:s13], [sflag:$0x3], $0x4000, $0x38;
	[tilespmem:$0x9000] =	vst v63  }
0x4c: {  	_ =	swait.ge [sflag:s18], $0x4000  }
0x4d: {  	[sflag:s18] =	ssyncset.done $0x0  }
0x4e: {  	s21 =	sadd.s32 $0x1, s21;
	[sflag:s18] =	ssyncadd.s32 $0xFFFFC000  }
0x4f: {  	[hbm4b:s9+s3] =	stream.linear.scatter [tilespmem:s14], [sflag:$0x4], $0x4000, $0x38;
	[tilespmem:$0x9000] =	vst v63  }
0x50: {  	p0 =	sne.s32 s21, s6;
	_ =	swait.ge [sflag:s16], $0x4000  }
.Ltmp1:
0x51: {  	[sflag:s16] =	ssyncset.done $0x0;
	(pc) =	sbr.rel @p0 .LBB2_1-.Ltmp1, $4  }
0x52: {  	[sflag:s16] =	ssyncadd.s32 $0xFFFFC000  }
0x53: {  	_ =	swait.ge [sflag:s19], $0x4000  }
0x54: {  	[sflag:s19] =	ssyncset.done $0x0  }
0x55: {  	[sflag:s19] =	ssyncadd.s32 $0xFFFFC000  }
0x56: {  	_ =	sfence.sel $0x180000  }
0x57: {  	[bflag:$0x0] =	sbarrier.arrive $0xFFFF  }
0x58: {  	p0 =	sne.s32 s1, $0x0;
	_ =	strace $0x9000004D  }
0x59: {  	s0 =	sadd.s32 @!p0 $0x100000, s0;
	[bflag:$0x2] =	sbarrier.arrive $0xFFFF  }
0x5a: {  	[sflag:s0] =	ssyncadd.tile.s32 @!p0 $0x1;
	_ =	shalt  }
.Lfunc_end2:
_tile_overlayer_lowered:
.L_overlay_start_2:
0x5b: {  	(tag) =	ssettag $0x2  }
0x5c: {  	s0 =	rddreg [dreg:$0x0];
	s2 =	stileid.u32  }
0x5d: {  	s1 =	rddreg [dreg:$0x1];
	p0 =	sne.s32 s2, $0x0  }
0x5e: {  	s3 =	rddreg [dreg:$0x2];
	[bflag:$0x3] =	sbarrier.arrive $0xFFFF;
	s2 =	simm.s32 @!p0 $0x1C05  }
0x5f: {  	[timem:s3], [sflag:s2] =	dma.local @!p0 [hbm:s0], s1  }
0x60: {  	s0 =	simm.s32 @!p0 $0x5  }
0x61: {  	_ =	swait.ge @!p0 [sflag:s0], s1  }
0x62: {  	s1 =	ssub.s32 @!p0 $0x0, s1;
	[sflag:s0] =	ssyncset.done @!p0 $0x0  }
0x63: {  	[sflag:s0] =	ssyncadd.s32 @!p0 s1  }
0x64: {  	[bflag:$0x3] =	sbarrier.arrive $0xFFFF  }
0x65: {  	_ =	shalt  }

// kernel: kernel.19.cloned.1.call-start
scs
__scs_entry_jumppad:
0x0: {  	(pc) =	sbr.rel $0x88, $3  }
0x1: {  	(tag) =	ssettag $0x0;
	lr =	simm.s32 $0x1  }
0x2: {  	[smem:$0x3F99] =	sst lr;
	_ =	strace $0xD0000000  }
0x3: {  	_ = 	snop  }
0x4: {  	_ = 	snop  }
0x5: {  	_ = 	snop  }
0x6: {  	_ = 	snop  }
0x7: {  	_ = 	snop  }
__scs_overlays_trampoline_lowered:
0x8: {  	[smem:$0x3FA8] =	sst s0  }
0x9: {  	[smem:$0x3FA9] =	sst s1  }
0xa: {  	[smem:$0x3FAA] =	sst s2  }
0xb: {  	[smem:$0x3FAB] =	sst s3  }
0xc: {  	[smem:$0x3FAC] =	sst s4  }
0xd: {  	[smem:$0x3FAD] =	sst s5  }
0xe: {  	[smem:$0x3FAE] =	sst s6  }
0xf: {  	[smem:$0x3FAF] =	sst s7  }
0x10: {  	[smem:$0x3FB0] =	sst s8  }
0x11: {  	[smem:$0x3FB1] =	sst s9;
	s0 =	simm.s32 @!p0 $0x0  }
0x12: {  	s1 =	sld [smem:$0x3F97];
	s0 =	simm.s32 @p0 $0x1  }
0x13: {  	[smem:$0x3FB2] =	sst s0;
	s0 =	simm.s32 @!p1 $0x0  }
0x14: {  	s2 =	sld [smem:$0x3F96];
	s0 =	simm.s32 @p1 $0x1  }
0x15: {  	[smem:$0x3FB3] =	sst s0;
	s0 =	simm.s32 @!p2 $0x0  }
0x16: {  	s3 =	sld [smem:$0x3FDB];
	s0 =	simm.s32 @p2 $0x1  }
0x17: {  	s4 =	simm.s32 $0x1BF5;
	[smem:$0x3FB5] =	sst s0  }
0x18: {  	s0 =	sld [smem:$0x3F98];
	_ =	swait.ge [sflag:s4], $0x0  }
0x19: {  	s7 =	sld [smem:$0x3F99]  }
0x1a: {  	s8 =	sadd.s32 $0xFFFFE003, lr  }
0x1b: {  	s9 =	sadd.s32 $0xFFFFFEF7, lr;
	s5 =	simm.s32 $0xFFFFFFFF;
	p2 =	slt.u32 s8, $0xFFFFF086  }
0x1c: {  	p1 =	slt.u32 s9, $0xF7A;
	s5 =	simm.s32 @!p2 $0x0  }
0x1d: {  	s5 =	simm.s32 @p1 $0x1;
	p0 =	seq.s32 s7, s2  }
0x1e: {  	s7 =	smul.u32 @!p0 $0xF7A, s2;
	p2 =	seq.s32 @!p0 s5, $0x0  }
0x1f: {  	s9 =	smul.u32 $0xF7A, s1;
	s8 =	simm.s32 @!p0 $0x1BF5;
	p2 =	por !p2, p0  }
0x20: {  	[sflag:s8] =	ssyncset.s32 @!p0 $0xFFFFF086;
	s6 =	sadd.s32 @!p0 s3, s7;
	s7 =	simm.s32 @!p0 $0x108  }
0x21: {  	s3 =	sadd.s32 s3, s9;
	s6 =	sadd.s32 @!p0 $0x88, s6;
	s7 =	simm.s32 @p2 $0x1082  }
0x22: {  	[simem:s7], [sflag:s8] =	dma.local @!p0 [hbm:s6], $0xF7A  }
0x23: {  	s9 =	sor.u32 $0xD0000000, s2;
	s6 =	simm.s32 $0x108;
	_ =	swait.ge @!p0 [sflag:s8], $0x0  }
0x24: {  	s3 =	sadd.s32 $0x88, s3;
	s6 =	simm.s32 @!p1 $0x1082;
	[sflag:s4] =	ssyncset.s32 $0xFFFFF086  }
0x25: {  	[simem:s6], [sflag:s4] =	dma.local [hbm:s3], $0xF7A  }
0x26: {  	[smem:$0x3F99] =	sst s1;
	(tag) =	ssettag s2;
	_ =	strace s9  }
0x27: {  	s1 =	sld [smem:$0x3FA9]  }
0x28: {  	s2 =	sld [smem:$0x3FAA]  }
0x29: {  	s4 =	sld [smem:$0x3FAC]  }
0x2a: {  	p0 =	seq.s32 s5, $0x0;
	s5 =	sld [smem:$0x3FAD]  }
0x2b: {  	s6 =	sld [smem:$0x3FAE]  }
0x2c: {  	s7 =	sld [smem:$0x3FAF]  }
0x2d: {  	s3 =	simm.s32 $0x108;
	s8 =	sld [smem:$0x3FB0]  }
0x2e: {  	s3 =	simm.s32 @!p0 $0x1082;
	s9 =	sld [smem:$0x3FB1]  }
0x2f: {  	lr =	sadd.s32 s0, s3;
	s0 =	sld [smem:$0x3FA8]  }
0x30: {  	s3 =	sld [smem:$0x3FAB]  }
0x31: {  	[smem:$0x3FB4] =	sst s10  }
0x32: {  	s10 =	sld [smem:$0x3FB2];
	_ =	sdelay $0x3  }
0x33: {  	p0 =	seq.s32 s10, $0x1;
	s10 =	sld [smem:$0x3FB4];
	_ =	sdelay $0x3  }
0x34: {  	[smem:$0x3FB4] =	sst s10  }
0x35: {  	s10 =	sld [smem:$0x3FB3];
	_ =	sdelay $0x3  }
0x36: {  	p1 =	seq.s32 s10, $0x1;
	s10 =	sld [smem:$0x3FB4];
	_ =	sdelay $0x3  }
0x37: {  	[smem:$0x3FB4] =	sst s10  }
0x38: {  	s10 =	sld [smem:$0x3FB5]  }
0x39: {  	_ = 	snop;
	(pc) =	sbr.ind lr, $3  }
0x3a: {  	_ = 	snop  }
0x3b: {  	_ = 	snop  }
0x3c: {  	p2 =	seq.s32 s10, $0x1;
	s10 =	sld [smem:$0x3FB4]  }
0x3d: {  	_ =	shalt  }
0x3e: {  	_ =	shalt  }
0x3f: {  	_ =	shalt  }
0x40: {  	_ =	shalt  }
0x41: {  	_ =	shalt  }
0x42: {  	_ =	shalt  }
0x43: {  	_ =	shalt  }
0x44: {  	_ =	shalt  }
0x45: {  	_ =	shalt  }
0x46: {  	_ =	shalt  }
0x47: {  	_ =	shalt  }
0x48: {  	_ =	shalt  }
0x49: {  	_ =	shalt  }
0x4a: {  	_ =	shalt  }
0x4b: {  	_ =	shalt  }
0x4c: {  	_ =	shalt  }
0x4d: {  	_ =	shalt  }
0x4e: {  	_ =	shalt  }
0x4f: {  	_ =	shalt  }
0x50: {  	_ =	shalt  }
0x51: {  	_ =	shalt  }
0x52: {  	_ =	shalt  }
0x53: {  	_ =	shalt  }
0x54: {  	_ =	shalt  }
0x55: {  	_ =	shalt  }
0x56: {  	_ =	shalt  }
0x57: {  	_ =	shalt  }
0x58: {  	_ =	shalt  }
0x59: {  	_ =	shalt  }
0x5a: {  	_ =	shalt  }
0x5b: {  	_ =	shalt  }
0x5c: {  	_ =	shalt  }
0x5d: {  	_ =	shalt  }
0x5e: {  	_ =	shalt  }
0x5f: {  	_ =	shalt  }
0x60: {  	_ =	shalt  }
0x61: {  	_ =	shalt  }
0x62: {  	_ =	shalt  }
0x63: {  	_ =	shalt  }
0x64: {  	_ =	shalt  }
0x65: {  	_ =	shalt  }
0x66: {  	_ =	shalt  }
0x67: {  	_ =	shalt  }
0x68: {  	_ =	shalt  }
0x69: {  	_ =	shalt  }
0x6a: {  	_ =	shalt  }
0x6b: {  	_ =	shalt  }
0x6c: {  	_ =	shalt  }
0x6d: {  	_ =	shalt  }
0x6e: {  	_ =	shalt  }
0x6f: {  	_ =	shalt  }
0x70: {  	_ =	shalt  }
0x71: {  	_ =	shalt  }
0x72: {  	_ =	shalt  }
0x73: {  	_ =	shalt  }
0x74: {  	_ =	shalt  }
0x75: {  	_ =	shalt  }
0x76: {  	_ =	shalt  }
0x77: {  	_ =	shalt  }
0x78: {  	_ =	shalt  }
0x79: {  	_ =	shalt  }
0x7a: {  	_ =	shalt  }
0x7b: {  	_ =	shalt  }
0x7c: {  	_ =	shalt  }
0x7d: {  	_ =	shalt  }
0x7e: {  	_ =	shalt  }
0x7f: {  	_ =	shalt  }
0x80: {  	_ =	shalt  }
0x81: {  	_ =	shalt  }
0x82: {  	_ =	shalt  }
0x83: {  	_ =	shalt  }
0x84: {  	_ =	shalt  }
0x85: {  	_ =	shalt  }
0x86: {  	_ =	shalt  }
0x87: {  	_ =	shalt  }
.Lfunc_end0:
.L_simem_size_0:
called_computation.3_lowered:
.L_overlay_start_0:
0x88: {  	s2 =	sld [smem:$0x3FD9]  }
0x89: {  	s3 =	sld [smem:$0x3FFE];
	_ =	sdelay $0x1  }
0x8a: {  	s1 =	srdreg.scid  }
0x8b: {  	s0 =	sand.u32 $0x1, s1  }
0x8c: {  	s17 =	sshll.u32 s0, $0xA;
	s2 =	sadd.s32 s3, s2  }
0x8d: {  	s2 =	sadd.s32 s2, s17  }
0x8e: {  	[smem:$0x3FC0] =	sst s2  }
0x8f: {  	_ = 	snop  }
0x90: {  	s18 =	sld [smem:$0x3FC6];
	(tm) =	ssettm $0x1  }
0x91: {  	s19 =	sld [smem:$0x3FFB];
	_ =	sdelay $0x3  }
0x92: {  	_ =	strace s19  }
0x93: {  	s2 =	sld [smem:$0x3FFC];
	_ =	sdelay $0x3  }
0x94: {  	_ =	strace s2  }
0x95: {  	s2 =	sld [smem:$0x3FFD];
	_ =	sdelay $0x3  }
0x96: {  	_ =	strace s2  }
0x97: {  	_ =	strace $0x8FFFFFFF  }
0x98: {  	s20 =	sld [smem:$0x3FDB];
	_ =	sdelay $0x1  }
0x99: {  	s4 =	simm.s32 $_scs_section_size  }
0x9a: {  	s5 =	simm.s32 $_size__tile_overlayer_lowered;
	s6 =	simm.s32 $_tile_overlayer_lowered  }
0x9b: {  	s7 =	simm.s32 $0x1BFF;
	s21 =	sshll.u32 s6, $0x1;
	s4 =	sadd.s32 s4, s20  }
0x9c: {  	s22 =	simm.s32 $0x0;
	s5 =	sshll.u32 s5, $0x1;
	s6 =	sadd.s32 s21, s4  }
0x9d: {  	[timem:s22], [sflag:s7] =	dma.local [hbm:s6], s5  }
0x9e: {  	_ =	swait.ge [sflag:s7], s5  }
0x9f: {  	s5 =	ssub.s32 $0x0, s5;
	[sflag:s7] =	ssyncset.done $0x0  }
0xa0: {  	[sflag:s7] =	ssyncadd.s32 s5;
	_ =	sdelay $0x1  }
0xa1: {  	s23 =	simm.s32 $0x1B8B  }
0xa2: {  	_ =	swait.ge [sflag:s23], $0x1  }
0xa3: {  	[sflag:s23] =	ssyncset.done $0x0  }
0xa4: {  	[sflag:s23] =	ssyncadd.s32 $0xFFFFFFFF  }
0xa5: {  	s5 =	sld [smem:$0x0]  }
0xa6: {  	s6 =	sand.u32 $0xFFFFFFFE, s1  }
0xa7: {  	p0 =	sne.s32 s1, s6  }
0xa8: {  	s6 =	sshll.u32 @p0 s6, $0xE  }
0xa9: {  	s6 =	sadd.s32 @p0 $0x11B8D, s6;
	s7 =	sshll.u32 @p0 s5, $0x11  }
0xaa: {  	s6 =	sor.u32 @p0 s7, s6  }
0xab: {  	[sflag:s6] =	ssyncadd.remote.s32 @p0 $0x1;
	_ =	sdelay $0x1  }
0xac: {  	s6 =	simm.s32 @p0 $0x1B8D  }
0xad: {  	_ =	swait.eq @p0 [sflag:s6], $0x1  }
0xae: {  	[sflag:s6] =	ssyncadd.s32 @p0 $0xFFFFFFFF  }
0xaf: {  	s7 =	sshll.u32 @!p0 s1, $0xE  }
0xb0: {  	s7 =	sor.u32 @!p0 $0x4000, s7;
	s6 =	simm.s32 @!p0 $0x1B8D  }
0xb1: {  	s5 =	sshll.u32 @!p0 s5, $0x11;
	s7 =	sadd.s32 @!p0 $0x11B8D, s7;
	_ =	swait.eq @!p0 [sflag:s6], $0x1  }
0xb2: {  	s5 =	sor.u32 @!p0 s5, s7;
	[sflag:s6] =	ssyncadd.s32 @!p0 $0xFFFFFFFF  }
0xb3: {  	s25 =	simm.s32 $0x1B8E;
	s24 =	sld [smem:$0x3FFE];
	[sflag:s5] =	ssyncadd.remote.s32 @!p0 $0x1  }
0xb4: {  	s26 =	simm.s32 $execute0_lowered;
	[smem:$0x3FD2] =	sst s25  }
0xb5: {  	s6 =	sshll.u32 s26, $0x1;
	_ =	strace $0x8000004F;
	[dreg:$0x1] =	wrdreg $0xFFFFFFFF  }
0xb6: {  	s28 =	simm.s32 $_size_execute0_lowered;
	s4 =	sadd.s32 s4, s6;
	[dreg:$0x0] =	wrdreg $0x0  }
0xb7: {  	s6 =	sshll.u32 s28, $0x1;
	[dreg:$0x2] =	wrdreg s4  }
0xb8: {  	[dreg:$0x3] =	wrdreg s6  }
0xb9: {  	[dreg:$0x4] =	wrdreg $0xC0  }
0xba: {  	_ =	task [dreg:s22], $0x5FFFF  }
0xbb: {  	[dreg:$0x1] =	wrdreg $0xFFFFFFFF  }
0xbc: {  	[dreg:$0x0] =	wrdreg $0x60  }
0xbd: {  	[dreg:$0x2] =	wrdreg s18  }
0xbe: {  	[dreg:$0x3] =	wrdreg s24  }
0xbf: {  	[dreg:$0x4] =	wrdreg $0xC  }
0xc0: {  	_ =	task.clear_ibuf [dreg:s22], $0x5FFFF;
	_ =	strace $0x9000004F  }
0xc1: {  	s29 =	simm.s32 $0xC;
	_ =	strace $0x80000051  }
0xc2: {  	_ =	swait.ge [sflag:s29], $0x1  }
0xc3: {  	[sflag:s29] =	ssyncadd.s32 $0xFFFFFFFF  }
0xc4: {  	_ =	strace $0x90000051  }
0xc5: {  	_ =	sfence  }
0xc6: {  	s30 =	sld [smem:$0x0];
	_ =	sdelay $0x2  }
0xc7: {  	s31 =	sshll.u32 s1, $0xD;
	s1 =	sshrl.u32 s1, $0x2  }
0xc8: {  	s4 =	sand.u32 $0x4000, s31;
	s1 =	sadd.s32 s1, s30  }
0xc9: {  	s0 =	sor.u32 s4, s0;
	s1 =	sshll.u32 s1, $0x11  }
0xca: {  	s0 =	sor.u32 s1, s0  }
0xcb: {  	s0 =	sadd.s32 $0x8F2B, s0  }
0xcc: {  	[sflag:s0] =	ssyncadd.remote.s32 $0x1  }
0xcd: {  	_ =	sfence.sel $0xFFFF  }
0xce: {  	[dreg:$0x0] =	wrdreg $0xFFFFFFFF;
	(pc) =	sbr.abs _section_cstart, $3  }
0xcf: {  	[dreg:$0x1] =	wrdreg $0xFFFFFFFF  }
0xd0: {  	_ =	task.clear_ibuf [dreg:s22], $0x2FFFF;
	_ =	strace $0x9FFFFFFF  }
0xd1: {  	(tm) =	ssettm $0x7FFFFFFF  }
tec
execute0_lowered:
.L_overlay_start_1:
0x0: {  	(tag) =	ssettag $0x1  }
0x1: {  	s2 =	rddreg [dreg:$0x0]  }
0x2: {  	s4 =	rddreg [dreg:$0x1];
	s3 =	srdreg.scid  }
0x3: {  	s0 =	rddreg [dreg:$0x2];
	s1 =	stileid.u32  }
0x4: {  	s12 =	simm.s32 $0x80;
	s13 =	simm.s32 $0x1000;
	s14 =	simm.s32 $0x5000  }
0x5: {  	s15 =	simm.s32 $0x1;
	s16 =	simm.s32 $0x3;
	s17 =	simm.s32 $0x100  }
0x6: {  	s18 =	simm.s32 $0x2;
	s19 =	simm.s32 $0x4;
	s20 =	simm.s32 $0xF80  }
0x7: {  	s21 =	simm.s32 $0x0;
	s8 =	sand.u32 $0x1, s3;
	s3 =	simm.s32 $0x0  }
0x8: {  	s5 =	sshll.u32 s1, $0xD;
	s9 =	sadd.s32 $0x612E00, s4;
	s10 =	sshll.u32 s1, $0x11  }
0x9: {  	s6 =	sshll.u32 s8, $0xC;
	[smem:$0x7FF] =	sst s3;
	s7 =	ssub.s32 $0x2, s8  }
0xa: {  	s10 =	sadd.s32 s10, s9;
	s11 =	sshll.u32 s8, $0x10;
	s5 =	sor.u32 s6, s5  }
0xb: {  	_ =	strace $0x80000050;
	s31 =	sshrl.u32 s7, $0x1;
	s10 =	sadd.s32 s11, s10  }
0xc: {  	s11 =	simm.s32 $0x5;
	s6 =	sshrl.u32 s5, $0x3;
	s7 =	ssub.s32 s7, s31  }
0xd: {  	s5 =	sshll.u32 s5, $0x4;
	s10 =	sadd.s32 $0x1000, s10;
	s6 =	sadd.s32 s6, s4  }
0xe: {  	s5 =	sadd.s32 s9, s5;
	s4 =	sadd.s32 $0x2E00, s6;
	s6 =	smax.u32 s7, $0x1  }
0xf: {  	s7 =	sadd.s32 $0x800, s5;
	s8 =	sadd.s32 $0xF000, s5;
	s9 =	sadd.s32 $0xF800, s5  }
.LBB2_1:
0x10: {  	[tilespmem:s3], [sflag:$0x5] =	stream.linear.gather [hbm4b:s4+s3], $0x1000, $0x38;
	[tilespmem:$0x9000] =	vst v63  }
0x11: {  	_ =	swait.ge [sflag:s11], $0x1000  }
0x12: {  	[sflag:s11] =	ssyncset.done $0x0  }
0x13: {  	[sflag:s11] =	ssyncadd.s32 $0xFFFFF000  }
0x14: {  	[tilespmem:s13], [sflag:$0x1] =	stream.indirect.gather [hbm4b:s2+s12], $0x80, s3, s12, $0xb8;
	[tilespmem:$0x9000] =	vst v63  }
0x15: {  	_ = 	snop  }
0x16: {  	[tilespmem:s14], [sflag:$0x2] =	stream.indirect.gather [hbm4b:s2+s12], $0x80, s12, s12, $0xb8;
	[tilespmem:$0x9000] =	vst v63  }
0x17: {  	_ =	swait.ge [sflag:s15], $0x4000  }
0x18: {  	[sflag:s15] =	ssyncset.done $0x0  }
0x19: {  	[sflag:s15] =	ssyncadd.s32 $0xFFFFC000  }
0x1a: {  	[hbm4b:s5+s3] =	stream.linear.scatter [tilespmem:s13], [sflag:$0x3], $0x4000, $0x38;
	[tilespmem:$0x9000] =	vst v63  }
0x1b: {  	_ =	swait.ge [sflag:s16], $0x4000  }
0x1c: {  	[sflag:s16] =	ssyncset.done $0x0  }
0x1d: {  	[sflag:s16] =	ssyncadd.s32 $0xFFFFC000  }
0x1e: {  	[tilespmem:s13], [sflag:$0x1] =	stream.indirect.gather [hbm4b:s2+s12], $0x80, s17, s12, $0xb8;
	[tilespmem:$0x9000] =	vst v63  }
0x1f: {  	_ =	swait.ge [sflag:s18], $0x4000  }
0x20: {  	[sflag:s18] =	ssyncset.done $0x0  }
0x21: {  	[sflag:s18] =	ssyncadd.s32 $0xFFFFC000  }
0x22: {  	[hbm4b:s7+s3] =	stream.linear.scatter [tilespmem:s14], [sflag:$0x4], $0x4000, $0x38;
	[tilespmem:$0x9000] =	vst v63  }
0x23: {  	_ =	swait.ge [sflag:s19], $0x4000  }
0x24: {  	[sflag:s19] =	ssyncset.done $0x0  }
0x25: {  	s22 =	simm.s32 $0x180;
	[sflag:s19] =	ssyncadd.s32 $0xFFFFC000  }
0x26: {  	[tilespmem:s14], [sflag:$0x2] =	stream.indirect.gather [hbm4b:s2+s12], $0x80, s22, s12, $0xb8;
	[tilespmem:$0x9000] =	vst v63  }
0x27: {  	_ =	swait.ge [sflag:s15], $0x4000  }
0x28: {  	[sflag:s15] =	ssyncset.done $0x0  }
0x29: {  	[sflag:s15] =	ssyncadd.s32 $0xFFFFC000  }
0x2a: {  	[hbm4b:s10+s3] =	stream.linear.scatter [tilespmem:s13], [sflag:$0x3], $0x4000, $0x38;
	[tilespmem:$0x9000] =	vst v63  }
0x2b: {  	_ =	swait.ge [sflag:s16], $0x4000  }
0x2c: {  	[sflag:s16] =	ssyncset.done $0x0  }
0x2d: {  	s31 =	simm.s32 $0x200;
	[sflag:s16] =	ssyncadd.s32 $0xFFFFC000  }
0x2e: {  	[tilespmem:s13], [sflag:$0x1] =	stream.indirect.gather [hbm4b:s2+s12], $0x80, s31, s12, $0xb8;
	[tilespmem:$0x9000] =	vst v63  }
0x2f: {  	_ =	swait.ge [sflag:s18], $0x4000  }
0x30: {  	s24 =	sadd.s32 $0x800, s10;
	[sflag:s18] =	ssyncset.done $0x0  }
0x31: {  	s23 =	sadd.s32 $0x1000, s10;
	s22 =	simm.s32 $0x400;
	[sflag:s18] =	ssyncadd.s32 $0xFFFFC000  }
.LBB2_2:
0x32: {  	[hbm4b:s24+s3] =	stream.linear.scatter [tilespmem:s14], [sflag:$0x4], $0x4000, $0x38;
	[tilespmem:$0x9000] =	vst v63  }
0x33: {  	s24 =	smov.u32 s22  }
0x34: {  	p0 =	sne.s32 s22, $0x3400;
	s22 =	sadd.s32 $0x400, s22;
	_ =	swait.ge [sflag:s19], $0x4000  }
0x35: {  	s24 =	sshra.s32 s24, $0x2;
	[sflag:s19] =	ssyncset.done $0x0  }
0x36: {  	s25 =	sadd.s32 $0x180, s24;
	[sflag:s19] =	ssyncadd.s32 $0xFFFFC000  }
0x37: {  	[tilespmem:s14], [sflag:$0x2] =	stream.indirect.gather [hbm4b:s2+s12], $0x80, s25, s12, $0xb8;
	[tilespmem:$0x9000] =	vst v63  }
0x38: {  	_ =	swait.ge [sflag:s15], $0x4000  }
0x39: {  	[sflag:s15] =	ssyncset.done $0x0  }
0x3a: {  	[sflag:s15] =	ssyncadd.s32 $0xFFFFC000  }
0x3b: {  	[hbm4b:s23+s3] =	stream.linear.scatter [tilespmem:s13], [sflag:$0x3], $0x4000, $0x38;
	[tilespmem:$0x9000] =	vst v63  }
0x3c: {  	_ =	swait.ge [sflag:s16], $0x4000  }
0x3d: {  	[sflag:s16] =	ssyncset.done $0x0  }
.Ltmp0:
0x3e: {  	s24 =	sadd.s32 $0x200, s24;
	[sflag:s16] =	ssyncadd.s32 $0xFFFFC000;
	(pc) =	sbr.rel @p0 .LBB2_2-.Ltmp0, $4  }
0x3f: {  	[tilespmem:s13], [sflag:$0x1] =	stream.indirect.gather [hbm4b:s2+s12], $0x80, s24, s12, $0xb8;
	[tilespmem:$0x9000] =	vst v63  }
0x40: {  	_ =	swait.ge [sflag:s18], $0x4000  }
0x41: {  	[sflag:s18] =	ssyncset.done $0x0  }
0x42: {  	s24 =	sadd.s32 $0x800, s23;
	s23 =	sadd.s32 $0x1000, s23;
	[sflag:s18] =	ssyncadd.s32 $0xFFFFC000  }
0x43: {  	[hbm4b:s24+s3] =	stream.linear.scatter [tilespmem:s14], [sflag:$0x4], $0x4000, $0x38;
	[tilespmem:$0x9000] =	vst v63  }
0x44: {  	_ =	swait.ge [sflag:s19], $0x4000  }
0x45: {  	[sflag:s19] =	ssyncset.done $0x0  }
0x46: {  	[sflag:s19] =	ssyncadd.s32 $0xFFFFC000  }
0x47: {  	[tilespmem:s14], [sflag:$0x2] =	stream.indirect.gather [hbm4b:s2+s12], $0x80, s20, s12, $0xb8;
	[tilespmem:$0x9000] =	vst v63  }
0x48: {  	_ =	swait.ge [sflag:s15], $0x4000  }
0x49: {  	[sflag:s15] =	ssyncset.done $0x0  }
0x4a: {  	[sflag:s15] =	ssyncadd.s32 $0xFFFFC000  }
0x4b: {  	[hbm4b:s8+s3] =	stream.linear.scatter [tilespmem:s13], [sflag:$0x3], $0x4000, $0x38;
	[tilespmem:$0x9000] =	vst v63  }
0x4c: {  	_ =	swait.ge [sflag:s18], $0x4000  }
0x4d: {  	[sflag:s18] =	ssyncset.done $0x0  }
0x4e: {  	s21 =	sadd.s32 $0x1, s21;
	[sflag:s18] =	ssyncadd.s32 $0xFFFFC000  }
0x4f: {  	[hbm4b:s9+s3] =	stream.linear.scatter [tilespmem:s14], [sflag:$0x4], $0x4000, $0x38;
	[tilespmem:$0x9000] =	vst v63  }
0x50: {  	p0 =	sne.s32 s21, s6;
	_ =	swait.ge [sflag:s16], $0x4000  }
.Ltmp1:
0x51: {  	[sflag:s16] =	ssyncset.done $0x0;
	(pc) =	sbr.rel @p0 .LBB2_1-.Ltmp1, $4  }
0x52: {  	[sflag:s16] =	ssyncadd.s32 $0xFFFFC000  }
0x53: {  	_ =	swait.ge [sflag:s19], $0x4000  }
0x54: {  	[sflag:s19] =	ssyncset.done $0x0  }
0x55: {  	[sflag:s19] =	ssyncadd.s32 $0xFFFFC000  }
0x56: {  	_ =	sfence.sel $0x180000  }
0x57: {  	[bflag:$0x0] =	sbarrier.arrive $0xFFFF  }
0x58: {  	p0 =	sne.s32 s1, $0x0;
	_ =	strace $0x90000050  }
0x59: {  	s0 =	sadd.s32 @!p0 $0x100000, s0;
	[bflag:$0x2] =	sbarrier.arrive $0xFFFF  }
0x5a: {  	[sflag:s0] =	ssyncadd.tile.s32 @!p0 $0x1;
	_ =	shalt  }
.Lfunc_end2:
_tile_overlayer_lowered:
.L_overlay_start_2:
0x5b: {  	(tag) =	ssettag $0x2  }
0x5c: {  	s0 =	rddreg [dreg:$0x0];
	s2 =	stileid.u32  }
0x5d: {  	s1 =	rddreg [dreg:$0x1];
	p0 =	sne.s32 s2, $0x0  }
0x5e: {  	s3 =	rddreg [dreg:$0x2];
	[bflag:$0x3] =	sbarrier.arrive $0xFFFF;
	s2 =	simm.s32 @!p0 $0x1C05  }
0x5f: {  	[timem:s3], [sflag:s2] =	dma.local @!p0 [hbm:s0], s1  }
0x60: {  	s0 =	simm.s32 @!p0 $0x5  }
0x61: {  	_ =	swait.ge @!p0 [sflag:s0], s1  }
0x62: {  	s1 =	ssub.s32 @!p0 $0x0, s1;
	[sflag:s0] =	ssyncset.done @!p0 $0x0  }
0x63: {  	[sflag:s0] =	ssyncadd.s32 @!p0 s1  }
0x64: {  	[bflag:$0x3] =	sbarrier.arrive $0xFFFF  }
0x65: {  	_ =	shalt  }

</sc_bundles>
